<compile_context>
chip_gen: v7x
topology: tpu7x:2x2x1
jax: 0.10.2.dev20260603
libtpu: 0.0.44.dev20260713+nightly
codegen_flags: <defaults>
</compile_context>

<pallas_src>
import functools

import jax
import jax.numpy as jnp
from jax import lax
from jax.experimental import pallas as pl
from jax.experimental.pallas import tpu as pltpu
from jax.experimental.pallas import tpu_sc as plsc

_B = 4096
_S = 50
_N_DISC = 26
_N_CONT = 13
_VOCAB = 1000
_EMB = 8
_BS = _B * _S
_NX = _N_DISC + _N_CONT
_D_OUT = 64
_EPS = 1e-5

_NW = 32
_BPW = _B // _NW
_NB = 8
_TOK = _NB * _S
_NR = _TOK * 16
_NCHUNK = _BPW // _NB
_NG = _TOK // 16


def _sc_gather_fused(xt, table):
    mesh = plsc.VectorSubcoreMesh(core_axis_name="c", subcore_axis_name="s")

    @functools.partial(
        pl.kernel,
        mesh=mesh,
        compiler_params=pltpu.CompilerParams(
            use_tc_tiling_on_sc=False, needs_layout_passes=False),
        out_type=(
            jax.ShapeDtypeStruct((_BS * 16, _EMB), jnp.float32),
            jax.ShapeDtypeStruct((_BS * 16, _EMB), jnp.float32),
        ),
        scratch_types=[
            pltpu.VMEM((_S, _NX, _NB), jnp.float32),
            pltpu.VMEM((_NR,), jnp.int32),
            pltpu.VMEM((_NR,), jnp.int32),
            pltpu.VMEM((_NR, _EMB), jnp.float32),
            pltpu.VMEM((_NR, _EMB), jnp.float32),
            pltpu.SemaphoreType.DMA,
            pltpu.SemaphoreType.DMA,
        ],
    )
    def gather_kernel(xt_hbm, table_hbm, ga_hbm, gb_hbm,
                      xbuf, idxa, idxb, rowsa, rowsb, sema, semb):
        wid = lax.axis_index("s") * 2 + lax.axis_index("c")
        b_base = wid * _BPW
        lanes = lax.iota(jnp.int32, 16)
        bpat = lanes % _NB
        hpat = lanes // _NB
        hoff = hpat * _VOCAB
        pos_pat = bpat * (_S * 16) + hpat

        def chunk_body(c, carry):
            b0 = b_base + c * _NB
            pltpu.sync_copy(xt_hbm.at[:, :, pl.ds(b0, _NB)], xbuf)

            def s_body(s, carry2):
                s16 = s * 16
                sv = jnp.full((16,), s, jnp.int32)
                for p in range(8):
                    f = 2 * p
                    codes = plsc.load_gather(xbuf, [sv, hpat + f, bpat])
                    plsc.store_scatter(
                        idxa, [pos_pat + (s16 + f)],
                        codes.astype(jnp.int32) + f * _VOCAB + hoff)
                for p in range(5):
                    f = 16 + 2 * p
                    codes = plsc.load_gather(xbuf, [sv, hpat + f, bpat])
                    plsc.store_scatter(
                        idxb, [pos_pat + (s16 + (f - 16))],
                        codes.astype(jnp.int32) + f * _VOCAB + hoff)
                for j in range(3):
                    posd = bpat * (_S * 16) + (s16 + 10 + 2 * j) + hpat
                    plsc.store_scatter(idxb, [posd], posd)
                return carry2

            lax.fori_loop(0, _S, s_body, 0)

            cpa = pltpu.async_copy(table_hbm.at[idxa], rowsa, sema)
            cpb = pltpu.async_copy(table_hbm.at[idxb], rowsb, semb)
            cpa.wait()
            pltpu.sync_copy(rowsa, ga_hbm.at[pl.ds(b0 * (_S * 16), _NR)])
            cpb.wait()

            def cont_body(s, carry2):
                s16 = s * 16
                sv = jnp.full((16,), s, jnp.int32)
                for p in range(7):
                    c0 = _N_DISC + 2 * p
                    fv = jnp.minimum(hpat + c0, _NX - 1)
                    cv = plsc.load_gather(xbuf, [sv, fv, bpat])
                    cidx = 2 * p + hpat
                    rowv = (bpat * (_S * 16) + (s16 + 10)
                            + cidx // _EMB)
                    plsc.store_scatter(rowsb, [rowv, cidx % _EMB], cv)
                return carry2

            lax.fori_loop(0, _S, cont_body, 0)
            pltpu.sync_copy(rowsb, gb_hbm.at[pl.ds(b0 * (_S * 16), _NR)])
            return carry

        lax.fori_loop(0, _NCHUNK, chunk_body, 0)

    return gather_kernel(xt, table)


_BB = 16


def _dense_body(ga_ref, gb_ref, wa_ref, wb_ref, b_ref, so_ref, to_ref,
                out_ref):
    wa = wa_ref[...]
    wb = wb_ref[...]
    bias = b_ref[...]
    so = so_ref[...]
    to = to_ref[...]
    for b in range(_BB):
        ga = ga_ref[b * _S:(b + 1) * _S, :]
        gb = gb_ref[b * _S:(b + 1) * _S, :]
        z = jnp.dot(ga, wa, preferred_element_type=jnp.float32)
        z = z + jnp.dot(gb, wb, preferred_element_type=jnp.float32)
        z = z + bias
        out_ref[b] = jnp.maximum(z, 0.0) * so + to


def _dense_call(ga2, gb2, wa, wb, b2, so, to):
    return pl.pallas_call(
        _dense_body,
        grid=(_B // _BB,),
        in_specs=[
            pl.BlockSpec((_BB * _S, 128), lambda i: (i, 0)),
            pl.BlockSpec((_BB * _S, 128), lambda i: (i, 0)),
            pl.BlockSpec((128, _D_OUT), lambda i: (0, 0)),
            pl.BlockSpec((128, _D_OUT), lambda i: (0, 0)),
            pl.BlockSpec((1, _D_OUT), lambda i: (0, 0)),
            pl.BlockSpec((1, _D_OUT), lambda i: (0, 0)),
            pl.BlockSpec((1, _D_OUT), lambda i: (0, 0)),
        ],
        out_specs=pl.BlockSpec((_BB, _S, _D_OUT), lambda i: (i, 0, 0)),
        out_shape=jax.ShapeDtypeStruct((_B, _S, _D_OUT), jnp.float32),
    )(ga2, gb2, wa, wb, b2, so, to)


def kernel(x, emb_tables, cbn_w, cbn_b, cbn_rm, cbn_rv, lin_W, lin_b,
           obn_w, obn_b, obn_rm, obn_rv):
    table = emb_tables.reshape(_N_DISC * _VOCAB, _EMB)

    s_c = cbn_w / jnp.sqrt(cbn_rv + _EPS)
    t_c = cbn_b - cbn_rm * s_c
    wc = lin_W[:, :_N_CONT]
    wc2 = (wc * s_c[None, :]).T
    b2 = lin_b + t_c @ wc.T

    wa = lin_W[:, _N_CONT:_N_CONT + 128].T
    wb = jnp.concatenate([
        lin_W[:, _N_CONT + 128:].T,
        wc2,
        jnp.zeros((35, _D_OUT), jnp.float32),
    ], axis=0)

    s_o = obn_w / jnp.sqrt(obn_rv + _EPS)
    t_o = obn_b - obn_rm * s_o

    ga, gb = _sc_gather_fused(jnp.transpose(x, (1, 2, 0)), table)
    ga2 = ga.reshape(_BS, 128)
    gb2 = gb.reshape(_BS, 128)

    return _dense_call(ga2, gb2, wa, wb,
                       b2.reshape(1, _D_OUT),
                       s_o.reshape(1, _D_OUT),
                       t_o.reshape(1, _D_OUT))

# --- scband reference (transcript-rebuilt; emitter-appended) ---
"""Pipeline reference for scband-attribute-embedding-32083405701719 (READ-ONLY COPY).

The authoritative reference and input builder live on the scoring server;
editing this copy changes nothing except your own understanding.
"""

import jax, jax.numpy as jnp
import numpy as np

B = 4096
S = 50
N_DISC = 26
N_CONT = 13
VOCAB = 1000
EMB = 8
D_IN = N_DISC * EMB + N_CONT  # 221
D_OUT = 64
EPS = 1e-5


def setup_inputs(seed: int = 0) -> dict:
    key = jax.random.key(seed)
    ks = jax.random.split(key, 4)
    x = jax.random.randint(ks[0], (B, S, N_DISC + N_CONT), 0, VOCAB).astype(jnp.float32)
    emb_tables = jax.random.normal(ks[1], (N_DISC, VOCAB, EMB), dtype=jnp.float32) * 0.05
    cbn_w = jnp.ones((N_CONT,), dtype=jnp.float32)
    cbn_b = jnp.zeros((N_CONT,), dtype=jnp.float32)
    cbn_rm = jnp.zeros((N_CONT,), dtype=jnp.float32)
    cbn_rv = jnp.ones((N_CONT,), dtype=jnp.float32)
    lin_W = jax.random.normal(ks[2], (D_OUT, D_IN), dtype=jnp.float32) * (1.0 / np.sqrt(D_IN))
    lin_b = jax.random.normal(ks[3], (D_OUT,), dtype=jnp.float32) * 0.01
    obn_w = jnp.ones((D_OUT,), dtype=jnp.float32)
    obn_b = jnp.zeros((D_OUT,), dtype=jnp.float32)
    obn_rm = jnp.zeros((D_OUT,), dtype=jnp.float32)
    obn_rv = jnp.ones((D_OUT,), dtype=jnp.float32)
    return {"x": x, "emb_tables": emb_tables, "cbn_w": cbn_w, "cbn_b": cbn_b,
            "cbn_rm": cbn_rm, "cbn_rv": cbn_rv, "lin_W": lin_W, "lin_b": lin_b,
            "obn_w": obn_w, "obn_b": obn_b, "obn_rm": obn_rm, "obn_rv": obn_rv}


def reference(x, emb_tables, cbn_w, cbn_b, cbn_rm, cbn_rv, lin_W, lin_b, obn_w, obn_b, obn_rm, obn_rv):
    # x: [B, S, n_disc + n_cont]; first N_DISC columns are categorical codes.
    x_cat = x[..., :N_DISC].astype(jnp.int32)          # [B, S, 26]
    x_cont = x[..., N_DISC:]                           # [B, S, 13]
    # cont_bn (eval-mode BatchNorm1d over channel dim; transposes cancel)
    xc = (x_cont - cbn_rm) / jnp.sqrt(cbn_rv + EPS) * cbn_w + cbn_b
    # per-field embedding gather: [B, S, 26, 8] -> [B, S, 208]
    field_ids = jnp.arange(N_DISC)[None, None, :]
    x2 = emb_tables[field_ids, x_cat]
    x2 = x2.reshape(x2.shape[0], x2.shape[1], N_DISC * EMB)
    # dropout is identity in eval mode
    h = jnp.concatenate([xc, x2], axis=2)              # [B, S, 221]
    h = jax.nn.relu(jnp.einsum('bsi,oi->bso', h, lin_W) + lin_b)
    # out_bn (eval-mode BatchNorm1d over channel dim D_OUT)
    h = (h - obn_rm) / jnp.sqrt(obn_rv + EPS) * obn_w + obn_b
    return h

if __name__ == "__main__":
    import jax
    _d = setup_inputs()
    print(jax.jit(kernel)(*tuple(_d.values())))

</pallas_src>

<mosaic_0001>
#map = affine_map<(d0, d1) -> (0, 0, 0)>
#map1 = affine_map<(d0, d1) -> (0, 0)>
module attributes {stable_mosaic.version = 14 : i64} {
  func.func @gather_kernel(%arg0: i32, %arg1: i32, %arg2: memref<50x39x4096xf32, #tpu.memory_space<hbm>>, %arg3: memref<26000x8xf32, #tpu.memory_space<hbm>>, %arg4: memref<3276800x8xf32, #tpu.memory_space<hbm>>, %arg5: memref<3276800x8xf32, #tpu.memory_space<hbm>>, %arg6: memref<50x39x8xf32, #tpu.memory_space<vmem>>, %arg7: memref<6400xi32, #tpu.memory_space<vmem>>, %arg8: memref<6400xi32, #tpu.memory_space<vmem>>, %arg9: memref<6400x8xf32, #tpu.memory_space<vmem>>, %arg10: memref<6400x8xf32, #tpu.memory_space<vmem>>, %arg11: memref<!tpu.dma_semaphore, #tpu.memory_space<semaphore_mem>>, %arg12: memref<!tpu.dma_semaphore, #tpu.memory_space<semaphore_mem>>) attributes {dimension_semantics = [#tpu.dimension_semantics<core_parallel>, #tpu.dimension_semantics<subcore_parallel>], iteration_bounds = array<i64: 2, 16>, scalar_prefetch = 0 : i64, scratch_operands = 7 : i64, tpu.core_type = #tpu.core_type<sc_vector_subcore>, window_params = [{transform_indices = #map}, {transform_indices = #map1}, {transform_indices = #map1}, {transform_indices = #map1}]} {
    %mul3A = arith.constant 2 : i32
    %mul3A_0 = arith.muli %arg1, %mul3A : i32
    %add3A = arith.addi %mul3A_0, %arg0 : i32
    %mul3A_1 = arith.constant 128 : i32
    %mul3A_2 = arith.muli %add3A, %mul3A_1 : i32
    %iota3A = tpu.iota {dimensions = array<i32: 0>} : vector<16xi32>
    %jit3A = arith.constant 8 : i32
    %eq3A = arith.constant 0 : i32
    %eq3A_3 = arith.cmpi eq, %jit3A, %eq3A : i32
    %jit3A_4 = arith.constant 1 : i32
    %select_n3A = arith.select %eq3A_3, %jit3A_4, %jit3A : i32
    %rem3A = vector.broadcast %select_n3A : i32 to vector<16xi32>
    %rem3A_5 = arith.remsi %iota3A, %rem3A : vector<16xi32>
    %ne3A = arith.constant 0 : i32
    %ne3A_6 = vector.broadcast %ne3A : i32 to vector<16xi32>
    %ne3A_7 = arith.cmpi ne, %rem3A_5, %ne3A_6 : vector<16xi32>
    %lt3A = arith.constant 0 : i32
    %lt3A_8 = vector.broadcast %lt3A : i32 to vector<16xi32>
    %lt3A_9 = arith.cmpi slt, %rem3A_5, %lt3A_8 : vector<16xi32>
    %lt3A_10 = arith.constant 0 : i32
    %lt3A_11 = arith.cmpi slt, %select_n3A, %lt3A_10 : i32
    %ne3A_12 = vector.broadcast %lt3A_11 : i1 to vector<16xi1>
    %ne3A_13 = vector.broadcast %ne3A_12 : vector<16xi1> to vector<16xi1>
    %ne3A_14 = arith.xori %lt3A_9, %ne3A_13 : vector<16xi1>
    %and3A = arith.andi %ne3A_14, %ne3A_7 : vector<16xi1>
    %add3A_15 = vector.broadcast %select_n3A : i32 to vector<16xi32>
    %add3A_16 = arith.addi %rem3A_5, %add3A_15 : vector<16xi32>
    %select_n3A_17 = arith.select %and3A, %add3A_16, %rem3A_5 : vector<16xi1>, vector<16xi32>
    %jit3A_18 = arith.constant 8 : i32
    %div3A = vector.broadcast %jit3A_18 : i32 to vector<16xi32>
    %div3A_19 = arith.divsi %iota3A, %div3A : vector<16xi32>
    %sign3A = arith.constant 0 : i32
    %sign3A_20 = vector.broadcast %sign3A : i32 to vector<16xi32>
    %sign3A_21 = arith.cmpi sgt, %iota3A, %sign3A_20 : vector<16xi32>
    %sign3A_22 = arith.extui %sign3A_21 : vector<16xi1> to vector<16xi32>
    %sign3A_23 = arith.constant 0 : i32
    %sign3A_24 = vector.broadcast %sign3A_23 : i32 to vector<16xi32>
    %sign3A_25 = arith.cmpi slt, %iota3A, %sign3A_24 : vector<16xi32>
    %sign3A_26 = arith.extui %sign3A_25 : vector<16xi1> to vector<16xi32>
    %sign3A_27 = arith.subi %sign3A_22, %sign3A_26 : vector<16xi32>
    %sign3A_28 = arith.constant 0 : i32
    %sign3A_29 = arith.cmpi sgt, %jit3A_18, %sign3A_28 : i32
    %sign3A_30 = arith.extui %sign3A_29 : i1 to i32
    %sign3A_31 = arith.constant 0 : i32
    %sign3A_32 = arith.cmpi slt, %jit3A_18, %sign3A_31 : i32
    %sign3A_33 = arith.extui %sign3A_32 : i1 to i32
    %sign3A_34 = arith.subi %sign3A_30, %sign3A_33 : i32
    %ne3A_35 = vector.broadcast %sign3A_34 : i32 to vector<16xi32>
    %ne3A_36 = arith.cmpi ne, %sign3A_27, %ne3A_35 : vector<16xi32>
    %rem3A_37 = vector.broadcast %jit3A_18 : i32 to vector<16xi32>
    %rem3A_38 = arith.remsi %iota3A, %rem3A_37 : vector<16xi32>
    %ne3A_39 = arith.constant 0 : i32
    %ne3A_40 = vector.broadcast %ne3A_39 : i32 to vector<16xi32>
    %ne3A_41 = arith.cmpi ne, %rem3A_38, %ne3A_40 : vector<16xi32>
    %and3A_42 = arith.andi %ne3A_36, %ne3A_41 : vector<16xi1>
    %sub3A = arith.constant 1 : i32
    %sub3A_43 = vector.broadcast %sub3A : i32 to vector<16xi32>
    %sub3A_44 = arith.subi %div3A_19, %sub3A_43 : vector<16xi32>
    %select_n3A_45 = arith.select %and3A_42, %sub3A_44, %div3A_19 : vector<16xi1>, vector<16xi32>
    %mul3A_46 = arith.constant 1000 : i32
    %mul3A_47 = vector.broadcast %mul3A_46 : i32 to vector<16xi32>
    %mul3A_48 = arith.muli %select_n3A_45, %mul3A_47 : vector<16xi32>
    %mul3A_49 = arith.constant 800 : i32
    %mul3A_50 = vector.broadcast %mul3A_49 : i32 to vector<16xi32>
    %mul3A_51 = arith.muli %select_n3A_17, %mul3A_50 : vector<16xi32>
    %add3A_52 = arith.addi %mul3A_51, %select_n3A_45 : vector<16xi32>
    %scan3A = arith.constant 0 : i32
    %scan3A_53 = arith.constant 0 : i32
    %scan3A_54 = arith.constant 16 : i32
    %scan3A_55 = arith.addi %scan3A_53, %scan3A_54 : i32
    %scan3A_56 = arith.constant 1 : i32
    scf.for %scan3A_58 = %scan3A_53 to %scan3A_55 step %scan3A_56  : i32 {
      %mul3A_59 = arith.constant 8 : i32
      %mul3A_60 = arith.muli %scan3A_58, %mul3A_59 : i32
      %add3A_61 = arith.addi %mul3A_2, %mul3A_60 : i32
      "tpu.region"() ({
        %run_scoped3A = tpu.sem_alloc : memref<!tpu.dma_semaphore, #tpu.memory_space<semaphore_mem>>
        %dma_start3A_88 = arith.constant 0 : i32
        %dma_start3A_89 = arith.constant 0 : i32
        %dma_start3A_90 = tpu.memref_slice %arg2[%dma_start3A_88, %dma_start3A_89, %add3A_61] : memref<50x39x4096xf32, #tpu.memory_space<hbm>> -> memref<50x39x8xf32, #tpu.memory_space<hbm>>
        %dma_start3A_91 = arith.constant 0 : i32
        %dma_start3A_92 = arith.constant 0 : i32
        %dma_start3A_93 = tpu.memref_slice %arg2[%dma_start3A_91, %dma_start3A_92, %add3A_61] : memref<50x39x4096xf32, #tpu.memory_space<hbm>> -> memref<50x39x8xf32, #tpu.memory_space<hbm>>
        tpu.enqueue_dma source(%dma_start3A_93 : memref<50x39x8xf32, #tpu.memory_space<hbm>>) target(%arg6 : memref<50x39x8xf32, #tpu.memory_space<vmem>>) target_semaphore(%run_scoped3A : memref<!tpu.dma_semaphore, #tpu.memory_space<semaphore_mem>>)
        %dma_wait3A_94 = arith.constant 0 : i32
        %dma_wait3A_95 = arith.constant 0 : i32
        %dma_wait3A_96 = tpu.memref_slice %arg2[%dma_wait3A_94, %dma_wait3A_95, %add3A_61] : memref<50x39x4096xf32, #tpu.memory_space<hbm>> -> memref<50x39x8xf32, #tpu.memory_space<hbm>>
        %dma_wait3A_97 = arith.constant 0 : i32
        %dma_wait3A_98 = arith.constant 0 : i32
        %dma_wait3A_99 = tpu.memref_slice %arg2[%dma_wait3A_97, %dma_wait3A_98, %add3A_61] : memref<50x39x4096xf32, #tpu.memory_space<hbm>> -> memref<50x39x8xf32, #tpu.memory_space<hbm>>
        tpu.wait_dma2 semaphore(%run_scoped3A : memref<!tpu.dma_semaphore, #tpu.memory_space<semaphore_mem>>) src(%dma_wait3A_99 : memref<50x39x8xf32, #tpu.memory_space<hbm>>) dst(%arg6 : memref<50x39x8xf32, #tpu.memory_space<vmem>>)
        tpu.yield
      }) : () -> ()
      %scan3A_62 = arith.constant 0 : i32
      %scan3A_63 = arith.constant 0 : i32
      %scan3A_64 = arith.constant 50 : i32
      %scan3A_65 = arith.addi %scan3A_63, %scan3A_64 : i32
      %scan3A_66 = arith.constant 1 : i32
      scf.for %scan3A_88 = %scan3A_63 to %scan3A_65 step %scan3A_66  : i32 {
        %mul3A_89 = arith.constant 16 : i32
        %mul3A_90 = arith.muli %scan3A_88, %mul3A_89 : i32
        %broadcast_in_dim3A = vector.broadcast %scan3A_88 : i32 to vector<16xi32>
        %add3A_91 = arith.constant 0 : i32
        %add3A_92 = vector.broadcast %add3A_91 : i32 to vector<16xi32>
        %add3A_93 = arith.addi %select_n3A_45, %add3A_92 : vector<16xi32>
        %gather3A = tpu.vector_load_idx %arg6[%broadcast_in_dim3A, %add3A_93, %select_n3A_17] : memref<50x39x8xf32, #tpu.memory_space<vmem>>[vector<16xi32>, vector<16xi32>, vector<16xi32>], vector<16xf32>,
        %add3A_94 = arith.constant 0 : i32
        %add3A_95 = arith.addi %mul3A_90, %add3A_94 : i32
        %add3A_96 = vector.broadcast %add3A_95 : i32 to vector<16xi32>
        %add3A_97 = arith.addi %add3A_52, %add3A_96 : vector<16xi32>
        %convert_element_type3A = arith.fptosi %gather3A : vector<16xf32> to vector<16xi32>
        %add3A_98 = arith.constant 0 : i32
        %add3A_99 = vector.broadcast %add3A_98 : i32 to vector<16xi32>
        %add3A_100 = arith.addi %convert_element_type3A, %add3A_99 : vector<16xi32>
        %add3A_101 = arith.addi %add3A_100, %mul3A_48 : vector<16xi32>
        tpu.vector_store_idx %arg7[%add3A_97], %add3A_101 : memref<6400xi32, #tpu.memory_space<vmem>>[vector<16xi32>], vector<16xi32>,
        %add3A_102 = arith.constant 2 : i32
        %add3A_103 = vector.broadcast %add3A_102 : i32 to vector<16xi32>
        %add3A_104 = arith.addi %select_n3A_45, %add3A_103 : vector<16xi32>
        %gather3A_105 = tpu.vector_load_idx %arg6[%broadcast_in_dim3A, %add3A_104, %select_n3A_17] : memref<50x39x8xf32, #tpu.memory_space<vmem>>[vector<16xi32>, vector<16xi32>, vector<16xi32>], vector<16xf32>,
        %add3A_106 = arith.constant 2 : i32
        %add3A_107 = arith.addi %mul3A_90, %add3A_106 : i32
        %add3A_108 = vector.broadcast %add3A_107 : i32 to vector<16xi32>
        %add3A_109 = arith.addi %add3A_52, %add3A_108 : vector<16xi32>
        %convert_element_type3A_110 = arith.fptosi %gather3A_105 : vector<16xf32> to vector<16xi32>
        %add3A_111 = arith.constant 2000 : i32
        %add3A_112 = vector.broadcast %add3A_111 : i32 to vector<16xi32>
        %add3A_113 = arith.addi %convert_element_type3A_110, %add3A_112 : vector<16xi32>
        %add3A_114 = arith.addi %add3A_113, %mul3A_48 : vector<16xi32>
        tpu.vector_store_idx %arg7[%add3A_109], %add3A_114 : memref<6400xi32, #tpu.memory_space<vmem>>[vector<16xi32>], vector<16xi32>,
        %add3A_115 = arith.constant 4 : i32
        %add3A_116 = vector.broadcast %add3A_115 : i32 to vector<16xi32>
        %add3A_117 = arith.addi %select_n3A_45, %add3A_116 : vector<16xi32>
        %gather3A_118 = tpu.vector_load_idx %arg6[%broadcast_in_dim3A, %add3A_117, %select_n3A_17] : memref<50x39x8xf32, #tpu.memory_space<vmem>>[vector<16xi32>, vector<16xi32>, vector<16xi32>], vector<16xf32>,
        %add3A_119 = arith.constant 4 : i32
        %add3A_120 = arith.addi %mul3A_90, %add3A_119 : i32
        %add3A_121 = vector.broadcast %add3A_120 : i32 to vector<16xi32>
        %add3A_122 = arith.addi %add3A_52, %add3A_121 : vector<16xi32>
        %convert_element_type3A_123 = arith.fptosi %gather3A_118 : vector<16xf32> to vector<16xi32>
        %add3A_124 = arith.constant 4000 : i32
        %add3A_125 = vector.broadcast %add3A_124 : i32 to vector<16xi32>
        %add3A_126 = arith.addi %convert_element_type3A_123, %add3A_125 : vector<16xi32>
        %add3A_127 = arith.addi %add3A_126, %mul3A_48 : vector<16xi32>
        tpu.vector_store_idx %arg7[%add3A_122], %add3A_127 : memref<6400xi32, #tpu.memory_space<vmem>>[vector<16xi32>], vector<16xi32>,
        %add3A_128 = arith.constant 6 : i32
        %add3A_129 = vector.broadcast %add3A_128 : i32 to vector<16xi32>
        %add3A_130 = arith.addi %select_n3A_45, %add3A_129 : vector<16xi32>
        %gather3A_131 = tpu.vector_load_idx %arg6[%broadcast_in_dim3A, %add3A_130, %select_n3A_17] : memref<50x39x8xf32, #tpu.memory_space<vmem>>[vector<16xi32>, vector<16xi32>, vector<16xi32>], vector<16xf32>,
        %add3A_132 = arith.constant 6 : i32
        %add3A_133 = arith.addi %mul3A_90, %add3A_132 : i32
        %add3A_134 = vector.broadcast %add3A_133 : i32 to vector<16xi32>
        %add3A_135 = arith.addi %add3A_52, %add3A_134 : vector<16xi32>
        %convert_element_type3A_136 = arith.fptosi %gather3A_131 : vector<16xf32> to vector<16xi32>
        %add3A_137 = arith.constant 6000 : i32
        %add3A_138 = vector.broadcast %add3A_137 : i32 to vector<16xi32>
        %add3A_139 = arith.addi %convert_element_type3A_136, %add3A_138 : vector<16xi32>
        %add3A_140 = arith.addi %add3A_139, %mul3A_48 : vector<16xi32>
        tpu.vector_store_idx %arg7[%add3A_135], %add3A_140 : memref<6400xi32, #tpu.memory_space<vmem>>[vector<16xi32>], vector<16xi32>,
        %add3A_141 = arith.constant 8 : i32
        %add3A_142 = vector.broadcast %add3A_141 : i32 to vector<16xi32>
        %add3A_143 = arith.addi %select_n3A_45, %add3A_142 : vector<16xi32>
        %gather3A_144 = tpu.vector_load_idx %arg6[%broadcast_in_dim3A, %add3A_143, %select_n3A_17] : memref<50x39x8xf32, #tpu.memory_space<vmem>>[vector<16xi32>, vector<16xi32>, vector<16xi32>], vector<16xf32>,
        %add3A_145 = arith.constant 8 : i32
        %add3A_146 = arith.addi %mul3A_90, %add3A_145 : i32
        %add3A_147 = vector.broadcast %add3A_146 : i32 to vector<16xi32>
        %add3A_148 = arith.addi %add3A_52, %add3A_147 : vector<16xi32>
        %convert_element_type3A_149 = arith.fptosi %gather3A_144 : vector<16xf32> to vector<16xi32>
        %add3A_150 = arith.constant 8000 : i32
        %add3A_151 = vector.broadcast %add3A_150 : i32 to vector<16xi32>
        %add3A_152 = arith.addi %convert_element_type3A_149, %add3A_151 : vector<16xi32>
        %add3A_153 = arith.addi %add3A_152, %mul3A_48 : vector<16xi32>
        tpu.vector_store_idx %arg7[%add3A_148], %add3A_153 : memref<6400xi32, #tpu.memory_space<vmem>>[vector<16xi32>], vector<16xi32>,
        %add3A_154 = arith.constant 10 : i32
        %add3A_155 = vector.broadcast %add3A_154 : i32 to vector<16xi32>
        %add3A_156 = arith.addi %select_n3A_45, %add3A_155 : vector<16xi32>
        %gather3A_157 = tpu.vector_load_idx %arg6[%broadcast_in_dim3A, %add3A_156, %select_n3A_17] : memref<50x39x8xf32, #tpu.memory_space<vmem>>[vector<16xi32>, vector<16xi32>, vector<16xi32>], vector<16xf32>,
        %add3A_158 = arith.constant 10 : i32
        %add3A_159 = arith.addi %mul3A_90, %add3A_158 : i32
        %add3A_160 = vector.broadcast %add3A_159 : i32 to vector<16xi32>
        %add3A_161 = arith.addi %add3A_52, %add3A_160 : vector<16xi32>
        %convert_element_type3A_162 = arith.fptosi %gather3A_157 : vector<16xf32> to vector<16xi32>
        %add3A_163 = arith.constant 10000 : i32
        %add3A_164 = vector.broadcast %add3A_163 : i32 to vector<16xi32>
        %add3A_165 = arith.addi %convert_element_type3A_162, %add3A_164 : vector<16xi32>
        %add3A_166 = arith.addi %add3A_165, %mul3A_48 : vector<16xi32>
        tpu.vector_store_idx %arg7[%add3A_161], %add3A_166 : memref<6400xi32, #tpu.memory_space<vmem>>[vector<16xi32>], vector<16xi32>,
        %add3A_167 = arith.constant 12 : i32
        %add3A_168 = vector.broadcast %add3A_167 : i32 to vector<16xi32>
        %add3A_169 = arith.addi %select_n3A_45, %add3A_168 : vector<16xi32>
        %gather3A_170 = tpu.vector_load_idx %arg6[%broadcast_in_dim3A, %add3A_169, %select_n3A_17] : memref<50x39x8xf32, #tpu.memory_space<vmem>>[vector<16xi32>, vector<16xi32>, vector<16xi32>], vector<16xf32>,
        %add3A_171 = arith.constant 12 : i32
        %add3A_172 = arith.addi %mul3A_90, %add3A_171 : i32
        %add3A_173 = vector.broadcast %add3A_172 : i32 to vector<16xi32>
        %add3A_174 = arith.addi %add3A_52, %add3A_173 : vector<16xi32>
        %convert_element_type3A_175 = arith.fptosi %gather3A_170 : vector<16xf32> to vector<16xi32>
        %add3A_176 = arith.constant 12000 : i32
        %add3A_177 = vector.broadcast %add3A_176 : i32 to vector<16xi32>
        %add3A_178 = arith.addi %convert_element_type3A_175, %add3A_177 : vector<16xi32>
        %add3A_179 = arith.addi %add3A_178, %mul3A_48 : vector<16xi32>
        tpu.vector_store_idx %arg7[%add3A_174], %add3A_179 : memref<6400xi32, #tpu.memory_space<vmem>>[vector<16xi32>], vector<16xi32>,
        %add3A_180 = arith.constant 14 : i32
        %add3A_181 = vector.broadcast %add3A_180 : i32 to vector<16xi32>
        %add3A_182 = arith.addi %select_n3A_45, %add3A_181 : vector<16xi32>
        %gather3A_183 = tpu.vector_load_idx %arg6[%broadcast_in_dim3A, %add3A_182, %select_n3A_17] : memref<50x39x8xf32, #tpu.memory_space<vmem>>[vector<16xi32>, vector<16xi32>, vector<16xi32>], vector<16xf32>,
        %add3A_184 = arith.constant 14 : i32
        %add3A_185 = arith.addi %mul3A_90, %add3A_184 : i32
        %add3A_186 = vector.broadcast %add3A_185 : i32 to vector<16xi32>
        %add3A_187 = arith.addi %add3A_52, %add3A_186 : vector<16xi32>
        %convert_element_type3A_188 = arith.fptosi %gather3A_183 : vector<16xf32> to vector<16xi32>
        %add3A_189 = arith.constant 14000 : i32
        %add3A_190 = vector.broadcast %add3A_189 : i32 to vector<16xi32>
        %add3A_191 = arith.addi %convert_element_type3A_188, %add3A_190 : vector<16xi32>
        %add3A_192 = arith.addi %add3A_191, %mul3A_48 : vector<16xi32>
        tpu.vector_store_idx %arg7[%add3A_187], %add3A_192 : memref<6400xi32, #tpu.memory_space<vmem>>[vector<16xi32>], vector<16xi32>,
        %add3A_193 = arith.constant 16 : i32
        %add3A_194 = vector.broadcast %add3A_193 : i32 to vector<16xi32>
        %add3A_195 = arith.addi %select_n3A_45, %add3A_194 : vector<16xi32>
        %gather3A_196 = tpu.vector_load_idx %arg6[%broadcast_in_dim3A, %add3A_195, %select_n3A_17] : memref<50x39x8xf32, #tpu.memory_space<vmem>>[vector<16xi32>, vector<16xi32>, vector<16xi32>], vector<16xf32>,
        %add3A_197 = arith.constant 0 : i32
        %add3A_198 = arith.addi %mul3A_90, %add3A_197 : i32
        %add3A_199 = vector.broadcast %add3A_198 : i32 to vector<16xi32>
        %add3A_200 = arith.addi %add3A_52, %add3A_199 : vector<16xi32>
        %convert_element_type3A_201 = arith.fptosi %gather3A_196 : vector<16xf32> to vector<16xi32>
        %add3A_202 = arith.constant 16000 : i32
        %add3A_203 = vector.broadcast %add3A_202 : i32 to vector<16xi32>
        %add3A_204 = arith.addi %convert_element_type3A_201, %add3A_203 : vector<16xi32>
        %add3A_205 = arith.addi %add3A_204, %mul3A_48 : vector<16xi32>
        tpu.vector_store_idx %arg8[%add3A_200], %add3A_205 : memref<6400xi32, #tpu.memory_space<vmem>>[vector<16xi32>], vector<16xi32>,
        %add3A_206 = arith.constant 18 : i32
        %add3A_207 = vector.broadcast %add3A_206 : i32 to vector<16xi32>
        %add3A_208 = arith.addi %select_n3A_45, %add3A_207 : vector<16xi32>
        %gather3A_209 = tpu.vector_load_idx %arg6[%broadcast_in_dim3A, %add3A_208, %select_n3A_17] : memref<50x39x8xf32, #tpu.memory_space<vmem>>[vector<16xi32>, vector<16xi32>, vector<16xi32>], vector<16xf32>,
        %add3A_210 = arith.constant 2 : i32
        %add3A_211 = arith.addi %mul3A_90, %add3A_210 : i32
        %add3A_212 = vector.broadcast %add3A_211 : i32 to vector<16xi32>
        %add3A_213 = arith.addi %add3A_52, %add3A_212 : vector<16xi32>
        %convert_element_type3A_214 = arith.fptosi %gather3A_209 : vector<16xf32> to vector<16xi32>
        %add3A_215 = arith.constant 18000 : i32
        %add3A_216 = vector.broadcast %add3A_215 : i32 to vector<16xi32>
        %add3A_217 = arith.addi %convert_element_type3A_214, %add3A_216 : vector<16xi32>
        %add3A_218 = arith.addi %add3A_217, %mul3A_48 : vector<16xi32>
        tpu.vector_store_idx %arg8[%add3A_213], %add3A_218 : memref<6400xi32, #tpu.memory_space<vmem>>[vector<16xi32>], vector<16xi32>,
        %add3A_219 = arith.constant 20 : i32
        %add3A_220 = vector.broadcast %add3A_219 : i32 to vector<16xi32>
        %add3A_221 = arith.addi %select_n3A_45, %add3A_220 : vector<16xi32>
        %gather3A_222 = tpu.vector_load_idx %arg6[%broadcast_in_dim3A, %add3A_221, %select_n3A_17] : memref<50x39x8xf32, #tpu.memory_space<vmem>>[vector<16xi32>, vector<16xi32>, vector<16xi32>], vector<16xf32>,
        %add3A_223 = arith.constant 4 : i32
        %add3A_224 = arith.addi %mul3A_90, %add3A_223 : i32
        %add3A_225 = vector.broadcast %add3A_224 : i32 to vector<16xi32>
        %add3A_226 = arith.addi %add3A_52, %add3A_225 : vector<16xi32>
        %convert_element_type3A_227 = arith.fptosi %gather3A_222 : vector<16xf32> to vector<16xi32>
        %add3A_228 = arith.constant 20000 : i32
        %add3A_229 = vector.broadcast %add3A_228 : i32 to vector<16xi32>
        %add3A_230 = arith.addi %convert_element_type3A_227, %add3A_229 : vector<16xi32>
        %add3A_231 = arith.addi %add3A_230, %mul3A_48 : vector<16xi32>
        tpu.vector_store_idx %arg8[%add3A_226], %add3A_231 : memref<6400xi32, #tpu.memory_space<vmem>>[vector<16xi32>], vector<16xi32>,
        %add3A_232 = arith.constant 22 : i32
        %add3A_233 = vector.broadcast %add3A_232 : i32 to vector<16xi32>
        %add3A_234 = arith.addi %select_n3A_45, %add3A_233 : vector<16xi32>
        %gather3A_235 = tpu.vector_load_idx %arg6[%broadcast_in_dim3A, %add3A_234, %select_n3A_17] : memref<50x39x8xf32, #tpu.memory_space<vmem>>[vector<16xi32>, vector<16xi32>, vector<16xi32>], vector<16xf32>,
        %add3A_236 = arith.constant 6 : i32
        %add3A_237 = arith.addi %mul3A_90, %add3A_236 : i32
        %add3A_238 = vector.broadcast %add3A_237 : i32 to vector<16xi32>
        %add3A_239 = arith.addi %add3A_52, %add3A_238 : vector<16xi32>
        %convert_element_type3A_240 = arith.fptosi %gather3A_235 : vector<16xf32> to vector<16xi32>
        %add3A_241 = arith.constant 22000 : i32
        %add3A_242 = vector.broadcast %add3A_241 : i32 to vector<16xi32>
        %add3A_243 = arith.addi %convert_element_type3A_240, %add3A_242 : vector<16xi32>
        %add3A_244 = arith.addi %add3A_243, %mul3A_48 : vector<16xi32>
        tpu.vector_store_idx %arg8[%add3A_239], %add3A_244 : memref<6400xi32, #tpu.memory_space<vmem>>[vector<16xi32>], vector<16xi32>,
        %add3A_245 = arith.constant 24 : i32
        %add3A_246 = vector.broadcast %add3A_245 : i32 to vector<16xi32>
        %add3A_247 = arith.addi %select_n3A_45, %add3A_246 : vector<16xi32>
        %gather3A_248 = tpu.vector_load_idx %arg6[%broadcast_in_dim3A, %add3A_247, %select_n3A_17] : memref<50x39x8xf32, #tpu.memory_space<vmem>>[vector<16xi32>, vector<16xi32>, vector<16xi32>], vector<16xf32>,
        %add3A_249 = arith.constant 8 : i32
        %add3A_250 = arith.addi %mul3A_90, %add3A_249 : i32
        %add3A_251 = vector.broadcast %add3A_250 : i32 to vector<16xi32>
        %add3A_252 = arith.addi %add3A_52, %add3A_251 : vector<16xi32>
        %convert_element_type3A_253 = arith.fptosi %gather3A_248 : vector<16xf32> to vector<16xi32>
        %add3A_254 = arith.constant 24000 : i32
        %add3A_255 = vector.broadcast %add3A_254 : i32 to vector<16xi32>
        %add3A_256 = arith.addi %convert_element_type3A_253, %add3A_255 : vector<16xi32>
        %add3A_257 = arith.addi %add3A_256, %mul3A_48 : vector<16xi32>
        tpu.vector_store_idx %arg8[%add3A_252], %add3A_257 : memref<6400xi32, #tpu.memory_space<vmem>>[vector<16xi32>], vector<16xi32>,
        %mul3A_258 = arith.constant 800 : i32
        %mul3A_259 = vector.broadcast %mul3A_258 : i32 to vector<16xi32>
        %mul3A_260 = arith.muli %select_n3A_17, %mul3A_259 : vector<16xi32>
        %add3A_261 = arith.constant 10 : i32
        %add3A_262 = arith.addi %mul3A_90, %add3A_261 : i32
        %add3A_263 = arith.constant 0 : i32
        %add3A_264 = arith.addi %add3A_262, %add3A_263 : i32
        %add3A_265 = vector.broadcast %add3A_264 : i32 to vector<16xi32>
        %add3A_266 = arith.addi %mul3A_260, %add3A_265 : vector<16xi32>
        %add3A_267 = arith.addi %add3A_266, %select_n3A_45 : vector<16xi32>
        tpu.vector_store_idx %arg8[%add3A_267], %add3A_267 : memref<6400xi32, #tpu.memory_space<vmem>>[vector<16xi32>], vector<16xi32>,
        %mul3A_268 = arith.constant 800 : i32
        %mul3A_269 = vector.broadcast %mul3A_268 : i32 to vector<16xi32>
        %mul3A_270 = arith.muli %select_n3A_17, %mul3A_269 : vector<16xi32>
        %add3A_271 = arith.constant 10 : i32
        %add3A_272 = arith.addi %mul3A_90, %add3A_271 : i32
        %add3A_273 = arith.constant 2 : i32
        %add3A_274 = arith.addi %add3A_272, %add3A_273 : i32
        %add3A_275 = vector.broadcast %add3A_274 : i32 to vector<16xi32>
        %add3A_276 = arith.addi %mul3A_270, %add3A_275 : vector<16xi32>
        %add3A_277 = arith.addi %add3A_276, %select_n3A_45 : vector<16xi32>
        tpu.vector_store_idx %arg8[%add3A_277], %add3A_277 : memref<6400xi32, #tpu.memory_space<vmem>>[vector<16xi32>], vector<16xi32>,
        %mul3A_278 = arith.constant 800 : i32
        %mul3A_279 = vector.broadcast %mul3A_278 : i32 to vector<16xi32>
        %mul3A_280 = arith.muli %select_n3A_17, %mul3A_279 : vector<16xi32>
        %add3A_281 = arith.constant 10 : i32
        %add3A_282 = arith.addi %mul3A_90, %add3A_281 : i32
        %add3A_283 = arith.constant 4 : i32
        %add3A_284 = arith.addi %add3A_282, %add3A_283 : i32
        %add3A_285 = vector.broadcast %add3A_284 : i32 to vector<16xi32>
        %add3A_286 = arith.addi %mul3A_280, %add3A_285 : vector<16xi32>
        %add3A_287 = arith.addi %add3A_286, %select_n3A_45 : vector<16xi32>
        tpu.vector_store_idx %arg8[%add3A_287], %add3A_287 : memref<6400xi32, #tpu.memory_space<vmem>>[vector<16xi32>], vector<16xi32>,
      }
      %scan3A_67 = arith.constant 50 : i32
      %dma_start3A = arith.constant 0 : i32
      %dma_start3A_68 = arith.constant 0 : i32
      %dma_start3A_69 = tpu.memref_slice %arg3[%dma_start3A, %dma_start3A_68] : memref<26000x8xf32, #tpu.memory_space<hbm>> -> memref<26000x8xf32, #tpu.memory_space<hbm>>
      tpu.enqueue_indirect_dma source(%dma_start3A_69 : memref<26000x8xf32, #tpu.memory_space<hbm>>) target(%arg9 : memref<6400x8xf32, #tpu.memory_space<vmem>>) offsets(%arg7 : memref<6400xi32, #tpu.memory_space<vmem>>) semaphore(%arg11 : memref<!tpu.dma_semaphore, #tpu.memory_space<semaphore_mem>>)
      %dma_start3A_70 = arith.constant 0 : i32
      %dma_start3A_71 = arith.constant 0 : i32
      %dma_start3A_72 = tpu.memref_slice %arg3[%dma_start3A_70, %dma_start3A_71] : memref<26000x8xf32, #tpu.memory_space<hbm>> -> memref<26000x8xf32, #tpu.memory_space<hbm>>
      tpu.enqueue_indirect_dma source(%dma_start3A_72 : memref<26000x8xf32, #tpu.memory_space<hbm>>) target(%arg10 : memref<6400x8xf32, #tpu.memory_space<vmem>>) offsets(%arg8 : memref<6400xi32, #tpu.memory_space<vmem>>) semaphore(%arg12 : memref<!tpu.dma_semaphore, #tpu.memory_space<semaphore_mem>>)
      %dma_wait3A = arith.constant 0 : i32
      %dma_wait3A_73 = arith.constant 0 : i32
      %dma_wait3A_74 = tpu.memref_slice %arg3[%dma_wait3A, %dma_wait3A_73] : memref<26000x8xf32, #tpu.memory_space<hbm>> -> memref<26000x8xf32, #tpu.memory_space<hbm>>
      tpu.wait_indirect_dma semaphore(%arg11 : memref<!tpu.dma_semaphore, #tpu.memory_space<semaphore_mem>>) src(%dma_wait3A_74 : memref<26000x8xf32, #tpu.memory_space<hbm>>) dst(%arg9 : memref<6400x8xf32, #tpu.memory_space<vmem>>)
      %mul3A_75 = arith.constant 800 : i32
      %mul3A_76 = arith.muli %add3A_61, %mul3A_75 : i32
      "tpu.region"() ({
        %run_scoped3A = tpu.sem_alloc : memref<!tpu.dma_semaphore, #tpu.memory_space<semaphore_mem>>
        %dma_start3A_88 = arith.constant 0 : i32
        %dma_start3A_89 = tpu.memref_slice %arg4[%mul3A_76, %dma_start3A_88] : memref<3276800x8xf32, #tpu.memory_space<hbm>> -> memref<6400x8xf32, #tpu.memory_space<hbm>>
        %dma_start3A_90 = arith.constant 0 : i32
        %dma_start3A_91 = tpu.memref_slice %arg4[%mul3A_76, %dma_start3A_90] : memref<3276800x8xf32, #tpu.memory_space<hbm>> -> memref<6400x8xf32, #tpu.memory_space<hbm>>
        tpu.enqueue_dma source(%arg9 : memref<6400x8xf32, #tpu.memory_space<vmem>>) target(%dma_start3A_91 : memref<6400x8xf32, #tpu.memory_space<hbm>>) target_semaphore(%run_scoped3A : memref<!tpu.dma_semaphore, #tpu.memory_space<semaphore_mem>>)
        %dma_wait3A_92 = arith.constant 0 : i32
        %dma_wait3A_93 = tpu.memref_slice %arg4[%mul3A_76, %dma_wait3A_92] : memref<3276800x8xf32, #tpu.memory_space<hbm>> -> memref<6400x8xf32, #tpu.memory_space<hbm>>
        %dma_wait3A_94 = arith.constant 0 : i32
        %dma_wait3A_95 = tpu.memref_slice %arg4[%mul3A_76, %dma_wait3A_94] : memref<3276800x8xf32, #tpu.memory_space<hbm>> -> memref<6400x8xf32, #tpu.memory_space<hbm>>
        tpu.wait_dma2 semaphore(%run_scoped3A : memref<!tpu.dma_semaphore, #tpu.memory_space<semaphore_mem>>) src(%arg9 : memref<6400x8xf32, #tpu.memory_space<vmem>>) dst(%dma_wait3A_95 : memref<6400x8xf32, #tpu.memory_space<hbm>>)
        tpu.yield
      }) : () -> ()
      %dma_wait3A_77 = arith.constant 0 : i32
      %dma_wait3A_78 = arith.constant 0 : i32
      %dma_wait3A_79 = tpu.memref_slice %arg3[%dma_wait3A_77, %dma_wait3A_78] : memref<26000x8xf32, #tpu.memory_space<hbm>> -> memref<26000x8xf32, #tpu.memory_space<hbm>>
      tpu.wait_indirect_dma semaphore(%arg12 : memref<!tpu.dma_semaphore, #tpu.memory_space<semaphore_mem>>) src(%dma_wait3A_79 : memref<26000x8xf32, #tpu.memory_space<hbm>>) dst(%arg10 : memref<6400x8xf32, #tpu.memory_space<vmem>>)
      %scan3A_80 = arith.constant 0 : i32
      %scan3A_81 = arith.constant 0 : i32
      %scan3A_82 = arith.constant 50 : i32
      %scan3A_83 = arith.addi %scan3A_81, %scan3A_82 : i32
      %scan3A_84 = arith.constant 1 : i32
      scf.for %scan3A_88 = %scan3A_81 to %scan3A_83 step %scan3A_84  : i32 {
        %mul3A_89 = arith.constant 16 : i32
        %mul3A_90 = arith.muli %scan3A_88, %mul3A_89 : i32
        %broadcast_in_dim3A = vector.broadcast %scan3A_88 : i32 to vector<16xi32>
        %add3A_91 = arith.constant 26 : i32
        %add3A_92 = vector.broadcast %add3A_91 : i32 to vector<16xi32>
        %add3A_93 = arith.addi %select_n3A_45, %add3A_92 : vector<16xi32>
        %min3A = arith.constant 38 : i32
        %min3A_94 = vector.broadcast %min3A : i32 to vector<16xi32>
        %min3A_95 = arith.minsi %add3A_93, %min3A_94 : vector<16xi32>
        %gather3A = tpu.vector_load_idx %arg6[%broadcast_in_dim3A, %min3A_95, %select_n3A_17] : memref<50x39x8xf32, #tpu.memory_space<vmem>>[vector<16xi32>, vector<16xi32>, vector<16xi32>], vector<16xf32>,
        %add3A_96 = arith.constant 0 : i32
        %add3A_97 = vector.broadcast %add3A_96 : i32 to vector<16xi32>
        %add3A_98 = arith.addi %add3A_97, %select_n3A_45 : vector<16xi32>
        %mul3A_99 = arith.constant 800 : i32
        %mul3A_100 = vector.broadcast %mul3A_99 : i32 to vector<16xi32>
        %mul3A_101 = arith.muli %select_n3A_17, %mul3A_100 : vector<16xi32>
        %add3A_102 = arith.constant 10 : i32
        %add3A_103 = arith.addi %mul3A_90, %add3A_102 : i32
        %add3A_104 = vector.broadcast %add3A_103 : i32 to vector<16xi32>
        %add3A_105 = arith.addi %mul3A_101, %add3A_104 : vector<16xi32>
        %jit3A_106 = arith.constant 8 : i32
        %div3A_107 = vector.broadcast %jit3A_106 : i32 to vector<16xi32>
        %div3A_108 = arith.divsi %add3A_98, %div3A_107 : vector<16xi32>
        %sign3A_109 = arith.constant 0 : i32
        %sign3A_110 = vector.broadcast %sign3A_109 : i32 to vector<16xi32>
        %sign3A_111 = arith.cmpi sgt, %add3A_98, %sign3A_110 : vector<16xi32>
        %sign3A_112 = arith.extui %sign3A_111 : vector<16xi1> to vector<16xi32>
        %sign3A_113 = arith.constant 0 : i32
        %sign3A_114 = vector.broadcast %sign3A_113 : i32 to vector<16xi32>
        %sign3A_115 = arith.cmpi slt, %add3A_98, %sign3A_114 : vector<16xi32>
        %sign3A_116 = arith.extui %sign3A_115 : vector<16xi1> to vector<16xi32>
        %sign3A_117 = arith.subi %sign3A_112, %sign3A_116 : vector<16xi32>
        %sign3A_118 = arith.constant 0 : i32
        %sign3A_119 = arith.cmpi sgt, %jit3A_106, %sign3A_118 : i32
        %sign3A_120 = arith.extui %sign3A_119 : i1 to i32
        %sign3A_121 = arith.constant 0 : i32
        %sign3A_122 = arith.cmpi slt, %jit3A_106, %sign3A_121 : i32
        %sign3A_123 = arith.extui %sign3A_122 : i1 to i32
        %sign3A_124 = arith.subi %sign3A_120, %sign3A_123 : i32
        %ne3A_125 = vector.broadcast %sign3A_124 : i32 to vector<16xi32>
        %ne3A_126 = arith.cmpi ne, %sign3A_117, %ne3A_125 : vector<16xi32>
        %rem3A_127 = vector.broadcast %jit3A_106 : i32 to vector<16xi32>
        %rem3A_128 = arith.remsi %add3A_98, %rem3A_127 : vector<16xi32>
        %ne3A_129 = arith.constant 0 : i32
        %ne3A_130 = vector.broadcast %ne3A_129 : i32 to vector<16xi32>
        %ne3A_131 = arith.cmpi ne, %rem3A_128, %ne3A_130 : vector<16xi32>
        %and3A_132 = arith.andi %ne3A_126, %ne3A_131 : vector<16xi1>
        %sub3A_133 = arith.constant 1 : i32
        %sub3A_134 = vector.broadcast %sub3A_133 : i32 to vector<16xi32>
        %sub3A_135 = arith.subi %div3A_108, %sub3A_134 : vector<16xi32>
        %select_n3A_136 = arith.select %and3A_132, %sub3A_135, %div3A_108 : vector<16xi1>, vector<16xi32>
        %add3A_137 = arith.addi %add3A_105, %select_n3A_136 : vector<16xi32>
        %jit3A_138 = arith.constant 8 : i32
        %eq3A_139 = arith.constant 0 : i32
        %eq3A_140 = arith.cmpi eq, %jit3A_138, %eq3A_139 : i32
        %jit3A_141 = arith.constant 1 : i32
        %select_n3A_142 = arith.select %eq3A_140, %jit3A_141, %jit3A_138 : i32
        %rem3A_143 = vector.broadcast %select_n3A_142 : i32 to vector<16xi32>
        %rem3A_144 = arith.remsi %add3A_98, %rem3A_143 : vector<16xi32>
        %ne3A_145 = arith.constant 0 : i32
        %ne3A_146 = vector.broadcast %ne3A_145 : i32 to vector<16xi32>
        %ne3A_147 = arith.cmpi ne, %rem3A_144, %ne3A_146 : vector<16xi32>
        %lt3A_148 = arith.constant 0 : i32
        %lt3A_149 = vector.broadcast %lt3A_148 : i32 to vector<16xi32>
        %lt3A_150 = arith.cmpi slt, %rem3A_144, %lt3A_149 : vector<16xi32>
        %lt3A_151 = arith.constant 0 : i32
        %lt3A_152 = arith.cmpi slt, %select_n3A_142, %lt3A_151 : i32
        %ne3A_153 = vector.broadcast %lt3A_152 : i1 to vector<16xi1>
        %ne3A_154 = vector.broadcast %ne3A_153 : vector<16xi1> to vector<16xi1>
        %ne3A_155 = arith.xori %lt3A_150, %ne3A_154 : vector<16xi1>
        %and3A_156 = arith.andi %ne3A_155, %ne3A_147 : vector<16xi1>
        %add3A_157 = vector.broadcast %select_n3A_142 : i32 to vector<16xi32>
        %add3A_158 = arith.addi %rem3A_144, %add3A_157 : vector<16xi32>
        %select_n3A_159 = arith.select %and3A_156, %add3A_158, %rem3A_144 : vector<16xi1>, vector<16xi32>
        tpu.vector_store_idx %arg10[%add3A_137, %select_n3A_159], %gather3A : memref<6400x8xf32, #tpu.memory_space<vmem>>[vector<16xi32>, vector<16xi32>], vector<16xf32>,
        %add3A_160 = arith.constant 28 : i32
        %add3A_161 = vector.broadcast %add3A_160 : i32 to vector<16xi32>
        %add3A_162 = arith.addi %select_n3A_45, %add3A_161 : vector<16xi32>
        %min3A_163 = arith.constant 38 : i32
        %min3A_164 = vector.broadcast %min3A_163 : i32 to vector<16xi32>
        %min3A_165 = arith.minsi %add3A_162, %min3A_164 : vector<16xi32>
        %gather3A_166 = tpu.vector_load_idx %arg6[%broadcast_in_dim3A, %min3A_165, %select_n3A_17] : memref<50x39x8xf32, #tpu.memory_space<vmem>>[vector<16xi32>, vector<16xi32>, vector<16xi32>], vector<16xf32>,
        %add3A_167 = arith.constant 2 : i32
        %add3A_168 = vector.broadcast %add3A_167 : i32 to vector<16xi32>
        %add3A_169 = arith.addi %add3A_168, %select_n3A_45 : vector<16xi32>
        %mul3A_170 = arith.constant 800 : i32
        %mul3A_171 = vector.broadcast %mul3A_170 : i32 to vector<16xi32>
        %mul3A_172 = arith.muli %select_n3A_17, %mul3A_171 : vector<16xi32>
        %add3A_173 = arith.constant 10 : i32
        %add3A_174 = arith.addi %mul3A_90, %add3A_173 : i32
        %add3A_175 = vector.broadcast %add3A_174 : i32 to vector<16xi32>
        %add3A_176 = arith.addi %mul3A_172, %add3A_175 : vector<16xi32>
        %jit3A_177 = arith.constant 8 : i32
        %div3A_178 = vector.broadcast %jit3A_177 : i32 to vector<16xi32>
        %div3A_179 = arith.divsi %add3A_169, %div3A_178 : vector<16xi32>
        %sign3A_180 = arith.constant 0 : i32
        %sign3A_181 = vector.broadcast %sign3A_180 : i32 to vector<16xi32>
        %sign3A_182 = arith.cmpi sgt, %add3A_169, %sign3A_181 : vector<16xi32>
        %sign3A_183 = arith.extui %sign3A_182 : vector<16xi1> to vector<16xi32>
        %sign3A_184 = arith.constant 0 : i32
        %sign3A_185 = vector.broadcast %sign3A_184 : i32 to vector<16xi32>
        %sign3A_186 = arith.cmpi slt, %add3A_169, %sign3A_185 : vector<16xi32>
        %sign3A_187 = arith.extui %sign3A_186 : vector<16xi1> to vector<16xi32>
        %sign3A_188 = arith.subi %sign3A_183, %sign3A_187 : vector<16xi32>
        %sign3A_189 = arith.constant 0 : i32
        %sign3A_190 = arith.cmpi sgt, %jit3A_177, %sign3A_189 : i32
        %sign3A_191 = arith.extui %sign3A_190 : i1 to i32
        %sign3A_192 = arith.constant 0 : i32
        %sign3A_193 = arith.cmpi slt, %jit3A_177, %sign3A_192 : i32
        %sign3A_194 = arith.extui %sign3A_193 : i1 to i32
        %sign3A_195 = arith.subi %sign3A_191, %sign3A_194 : i32
        %ne3A_196 = vector.broadcast %sign3A_195 : i32 to vector<16xi32>
        %ne3A_197 = arith.cmpi ne, %sign3A_188, %ne3A_196 : vector<16xi32>
        %rem3A_198 = vector.broadcast %jit3A_177 : i32 to vector<16xi32>
        %rem3A_199 = arith.remsi %add3A_169, %rem3A_198 : vector<16xi32>
        %ne3A_200 = arith.constant 0 : i32
        %ne3A_201 = vector.broadcast %ne3A_200 : i32 to vector<16xi32>
        %ne3A_202 = arith.cmpi ne, %rem3A_199, %ne3A_201 : vector<16xi32>
        %and3A_203 = arith.andi %ne3A_197, %ne3A_202 : vector<16xi1>
        %sub3A_204 = arith.constant 1 : i32
        %sub3A_205 = vector.broadcast %sub3A_204 : i32 to vector<16xi32>
        %sub3A_206 = arith.subi %div3A_179, %sub3A_205 : vector<16xi32>
        %select_n3A_207 = arith.select %and3A_203, %sub3A_206, %div3A_179 : vector<16xi1>, vector<16xi32>
        %add3A_208 = arith.addi %add3A_176, %select_n3A_207 : vector<16xi32>
        %jit3A_209 = arith.constant 8 : i32
        %eq3A_210 = arith.constant 0 : i32
        %eq3A_211 = arith.cmpi eq, %jit3A_209, %eq3A_210 : i32
        %jit3A_212 = arith.constant 1 : i32
        %select_n3A_213 = arith.select %eq3A_211, %jit3A_212, %jit3A_209 : i32
        %rem3A_214 = vector.broadcast %select_n3A_213 : i32 to vector<16xi32>
        %rem3A_215 = arith.remsi %add3A_169, %rem3A_214 : vector<16xi32>
        %ne3A_216 = arith.constant 0 : i32
        %ne3A_217 = vector.broadcast %ne3A_216 : i32 to vector<16xi32>
        %ne3A_218 = arith.cmpi ne, %rem3A_215, %ne3A_217 : vector<16xi32>
        %lt3A_219 = arith.constant 0 : i32
        %lt3A_220 = vector.broadcast %lt3A_219 : i32 to vector<16xi32>
        %lt3A_221 = arith.cmpi slt, %rem3A_215, %lt3A_220 : vector<16xi32>
        %lt3A_222 = arith.constant 0 : i32
        %lt3A_223 = arith.cmpi slt, %select_n3A_213, %lt3A_222 : i32
        %ne3A_224 = vector.broadcast %lt3A_223 : i1 to vector<16xi1>
        %ne3A_225 = vector.broadcast %ne3A_224 : vector<16xi1> to vector<16xi1>
        %ne3A_226 = arith.xori %lt3A_221, %ne3A_225 : vector<16xi1>
        %and3A_227 = arith.andi %ne3A_226, %ne3A_218 : vector<16xi1>
        %add3A_228 = vector.broadcast %select_n3A_213 : i32 to vector<16xi32>
        %add3A_229 = arith.addi %rem3A_215, %add3A_228 : vector<16xi32>
        %select_n3A_230 = arith.select %and3A_227, %add3A_229, %rem3A_215 : vector<16xi1>, vector<16xi32>
        tpu.vector_store_idx %arg10[%add3A_208, %select_n3A_230], %gather3A_166 : memref<6400x8xf32, #tpu.memory_space<vmem>>[vector<16xi32>, vector<16xi32>], vector<16xf32>,
        %add3A_231 = arith.constant 30 : i32
        %add3A_232 = vector.broadcast %add3A_231 : i32 to vector<16xi32>
        %add3A_233 = arith.addi %select_n3A_45, %add3A_232 : vector<16xi32>
        %min3A_234 = arith.constant 38 : i32
        %min3A_235 = vector.broadcast %min3A_234 : i32 to vector<16xi32>
        %min3A_236 = arith.minsi %add3A_233, %min3A_235 : vector<16xi32>
        %gather3A_237 = tpu.vector_load_idx %arg6[%broadcast_in_dim3A, %min3A_236, %select_n3A_17] : memref<50x39x8xf32, #tpu.memory_space<vmem>>[vector<16xi32>, vector<16xi32>, vector<16xi32>], vector<16xf32>,
        %add3A_238 = arith.constant 4 : i32
        %add3A_239 = vector.broadcast %add3A_238 : i32 to vector<16xi32>
        %add3A_240 = arith.addi %add3A_239, %select_n3A_45 : vector<16xi32>
        %mul3A_241 = arith.constant 800 : i32
        %mul3A_242 = vector.broadcast %mul3A_241 : i32 to vector<16xi32>
        %mul3A_243 = arith.muli %select_n3A_17, %mul3A_242 : vector<16xi32>
        %add3A_244 = arith.constant 10 : i32
        %add3A_245 = arith.addi %mul3A_90, %add3A_244 : i32
        %add3A_246 = vector.broadcast %add3A_245 : i32 to vector<16xi32>
        %add3A_247 = arith.addi %mul3A_243, %add3A_246 : vector<16xi32>
        %jit3A_248 = arith.constant 8 : i32
        %div3A_249 = vector.broadcast %jit3A_248 : i32 to vector<16xi32>
        %div3A_250 = arith.divsi %add3A_240, %div3A_249 : vector<16xi32>
        %sign3A_251 = arith.constant 0 : i32
        %sign3A_252 = vector.broadcast %sign3A_251 : i32 to vector<16xi32>
        %sign3A_253 = arith.cmpi sgt, %add3A_240, %sign3A_252 : vector<16xi32>
        %sign3A_254 = arith.extui %sign3A_253 : vector<16xi1> to vector<16xi32>
        %sign3A_255 = arith.constant 0 : i32
        %sign3A_256 = vector.broadcast %sign3A_255 : i32 to vector<16xi32>
        %sign3A_257 = arith.cmpi slt, %add3A_240, %sign3A_256 : vector<16xi32>
        %sign3A_258 = arith.extui %sign3A_257 : vector<16xi1> to vector<16xi32>
        %sign3A_259 = arith.subi %sign3A_254, %sign3A_258 : vector<16xi32>
        %sign3A_260 = arith.constant 0 : i32
        %sign3A_261 = arith.cmpi sgt, %jit3A_248, %sign3A_260 : i32
        %sign3A_262 = arith.extui %sign3A_261 : i1 to i32
        %sign3A_263 = arith.constant 0 : i32
        %sign3A_264 = arith.cmpi slt, %jit3A_248, %sign3A_263 : i32
        %sign3A_265 = arith.extui %sign3A_264 : i1 to i32
        %sign3A_266 = arith.subi %sign3A_262, %sign3A_265 : i32
        %ne3A_267 = vector.broadcast %sign3A_266 : i32 to vector<16xi32>
        %ne3A_268 = arith.cmpi ne, %sign3A_259, %ne3A_267 : vector<16xi32>
        %rem3A_269 = vector.broadcast %jit3A_248 : i32 to vector<16xi32>
        %rem3A_270 = arith.remsi %add3A_240, %rem3A_269 : vector<16xi32>
        %ne3A_271 = arith.constant 0 : i32
        %ne3A_272 = vector.broadcast %ne3A_271 : i32 to vector<16xi32>
        %ne3A_273 = arith.cmpi ne, %rem3A_270, %ne3A_272 : vector<16xi32>
        %and3A_274 = arith.andi %ne3A_268, %ne3A_273 : vector<16xi1>
        %sub3A_275 = arith.constant 1 : i32
        %sub3A_276 = vector.broadcast %sub3A_275 : i32 to vector<16xi32>
        %sub3A_277 = arith.subi %div3A_250, %sub3A_276 : vector<16xi32>
        %select_n3A_278 = arith.select %and3A_274, %sub3A_277, %div3A_250 : vector<16xi1>, vector<16xi32>
        %add3A_279 = arith.addi %add3A_247, %select_n3A_278 : vector<16xi32>
        %jit3A_280 = arith.constant 8 : i32
        %eq3A_281 = arith.constant 0 : i32
        %eq3A_282 = arith.cmpi eq, %jit3A_280, %eq3A_281 : i32
        %jit3A_283 = arith.constant 1 : i32
        %select_n3A_284 = arith.select %eq3A_282, %jit3A_283, %jit3A_280 : i32
        %rem3A_285 = vector.broadcast %select_n3A_284 : i32 to vector<16xi32>
        %rem3A_286 = arith.remsi %add3A_240, %rem3A_285 : vector<16xi32>
        %ne3A_287 = arith.constant 0 : i32
        %ne3A_288 = vector.broadcast %ne3A_287 : i32 to vector<16xi32>
        %ne3A_289 = arith.cmpi ne, %rem3A_286, %ne3A_288 : vector<16xi32>
        %lt3A_290 = arith.constant 0 : i32
        %lt3A_291 = vector.broadcast %lt3A_290 : i32 to vector<16xi32>
        %lt3A_292 = arith.cmpi slt, %rem3A_286, %lt3A_291 : vector<16xi32>
        %lt3A_293 = arith.constant 0 : i32
        %lt3A_294 = arith.cmpi slt, %select_n3A_284, %lt3A_293 : i32
        %ne3A_295 = vector.broadcast %lt3A_294 : i1 to vector<16xi1>
        %ne3A_296 = vector.broadcast %ne3A_295 : vector<16xi1> to vector<16xi1>
        %ne3A_297 = arith.xori %lt3A_292, %ne3A_296 : vector<16xi1>
        %and3A_298 = arith.andi %ne3A_297, %ne3A_289 : vector<16xi1>
        %add3A_299 = vector.broadcast %select_n3A_284 : i32 to vector<16xi32>
        %add3A_300 = arith.addi %rem3A_286, %add3A_299 : vector<16xi32>
        %select_n3A_301 = arith.select %and3A_298, %add3A_300, %rem3A_286 : vector<16xi1>, vector<16xi32>
        tpu.vector_store_idx %arg10[%add3A_279, %select_n3A_301], %gather3A_237 : memref<6400x8xf32, #tpu.memory_space<vmem>>[vector<16xi32>, vector<16xi32>], vector<16xf32>,
        %add3A_302 = arith.constant 32 : i32
        %add3A_303 = vector.broadcast %add3A_302 : i32 to vector<16xi32>
        %add3A_304 = arith.addi %select_n3A_45, %add3A_303 : vector<16xi32>
        %min3A_305 = arith.constant 38 : i32
        %min3A_306 = vector.broadcast %min3A_305 : i32 to vector<16xi32>
        %min3A_307 = arith.minsi %add3A_304, %min3A_306 : vector<16xi32>
        %gather3A_308 = tpu.vector_load_idx %arg6[%broadcast_in_dim3A, %min3A_307, %select_n3A_17] : memref<50x39x8xf32, #tpu.memory_space<vmem>>[vector<16xi32>, vector<16xi32>, vector<16xi32>], vector<16xf32>,
        %add3A_309 = arith.constant 6 : i32
        %add3A_310 = vector.broadcast %add3A_309 : i32 to vector<16xi32>
        %add3A_311 = arith.addi %add3A_310, %select_n3A_45 : vector<16xi32>
        %mul3A_312 = arith.constant 800 : i32
        %mul3A_313 = vector.broadcast %mul3A_312 : i32 to vector<16xi32>
        %mul3A_314 = arith.muli %select_n3A_17, %mul3A_313 : vector<16xi32>
        %add3A_315 = arith.constant 10 : i32
        %add3A_316 = arith.addi %mul3A_90, %add3A_315 : i32
        %add3A_317 = vector.broadcast %add3A_316 : i32 to vector<16xi32>
        %add3A_318 = arith.addi %mul3A_314, %add3A_317 : vector<16xi32>
        %jit3A_319 = arith.constant 8 : i32
        %div3A_320 = vector.broadcast %jit3A_319 : i32 to vector<16xi32>
        %div3A_321 = arith.divsi %add3A_311, %div3A_320 : vector<16xi32>
        %sign3A_322 = arith.constant 0 : i32
        %sign3A_323 = vector.broadcast %sign3A_322 : i32 to vector<16xi32>
        %sign3A_324 = arith.cmpi sgt, %add3A_311, %sign3A_323 : vector<16xi32>
        %sign3A_325 = arith.extui %sign3A_324 : vector<16xi1> to vector<16xi32>
        %sign3A_326 = arith.constant 0 : i32
        %sign3A_327 = vector.broadcast %sign3A_326 : i32 to vector<16xi32>
        %sign3A_328 = arith.cmpi slt, %add3A_311, %sign3A_327 : vector<16xi32>
        %sign3A_329 = arith.extui %sign3A_328 : vector<16xi1> to vector<16xi32>
        %sign3A_330 = arith.subi %sign3A_325, %sign3A_329 : vector<16xi32>
        %sign3A_331 = arith.constant 0 : i32
        %sign3A_332 = arith.cmpi sgt, %jit3A_319, %sign3A_331 : i32
        %sign3A_333 = arith.extui %sign3A_332 : i1 to i32
        %sign3A_334 = arith.constant 0 : i32
        %sign3A_335 = arith.cmpi slt, %jit3A_319, %sign3A_334 : i32
        %sign3A_336 = arith.extui %sign3A_335 : i1 to i32
        %sign3A_337 = arith.subi %sign3A_333, %sign3A_336 : i32
        %ne3A_338 = vector.broadcast %sign3A_337 : i32 to vector<16xi32>
        %ne3A_339 = arith.cmpi ne, %sign3A_330, %ne3A_338 : vector<16xi32>
        %rem3A_340 = vector.broadcast %jit3A_319 : i32 to vector<16xi32>
        %rem3A_341 = arith.remsi %add3A_311, %rem3A_340 : vector<16xi32>
        %ne3A_342 = arith.constant 0 : i32
        %ne3A_343 = vector.broadcast %ne3A_342 : i32 to vector<16xi32>
        %ne3A_344 = arith.cmpi ne, %rem3A_341, %ne3A_343 : vector<16xi32>
        %and3A_345 = arith.andi %ne3A_339, %ne3A_344 : vector<16xi1>
        %sub3A_346 = arith.constant 1 : i32
        %sub3A_347 = vector.broadcast %sub3A_346 : i32 to vector<16xi32>
        %sub3A_348 = arith.subi %div3A_321, %sub3A_347 : vector<16xi32>
        %select_n3A_349 = arith.select %and3A_345, %sub3A_348, %div3A_321 : vector<16xi1>, vector<16xi32>
        %add3A_350 = arith.addi %add3A_318, %select_n3A_349 : vector<16xi32>
        %jit3A_351 = arith.constant 8 : i32
        %eq3A_352 = arith.constant 0 : i32
        %eq3A_353 = arith.cmpi eq, %jit3A_351, %eq3A_352 : i32
        %jit3A_354 = arith.constant 1 : i32
        %select_n3A_355 = arith.select %eq3A_353, %jit3A_354, %jit3A_351 : i32
        %rem3A_356 = vector.broadcast %select_n3A_355 : i32 to vector<16xi32>
        %rem3A_357 = arith.remsi %add3A_311, %rem3A_356 : vector<16xi32>
        %ne3A_358 = arith.constant 0 : i32
        %ne3A_359 = vector.broadcast %ne3A_358 : i32 to vector<16xi32>
        %ne3A_360 = arith.cmpi ne, %rem3A_357, %ne3A_359 : vector<16xi32>
        %lt3A_361 = arith.constant 0 : i32
        %lt3A_362 = vector.broadcast %lt3A_361 : i32 to vector<16xi32>
        %lt3A_363 = arith.cmpi slt, %rem3A_357, %lt3A_362 : vector<16xi32>
        %lt3A_364 = arith.constant 0 : i32
        %lt3A_365 = arith.cmpi slt, %select_n3A_355, %lt3A_364 : i32
        %ne3A_366 = vector.broadcast %lt3A_365 : i1 to vector<16xi1>
        %ne3A_367 = vector.broadcast %ne3A_366 : vector<16xi1> to vector<16xi1>
        %ne3A_368 = arith.xori %lt3A_363, %ne3A_367 : vector<16xi1>
        %and3A_369 = arith.andi %ne3A_368, %ne3A_360 : vector<16xi1>
        %add3A_370 = vector.broadcast %select_n3A_355 : i32 to vector<16xi32>
        %add3A_371 = arith.addi %rem3A_357, %add3A_370 : vector<16xi32>
        %select_n3A_372 = arith.select %and3A_369, %add3A_371, %rem3A_357 : vector<16xi1>, vector<16xi32>
        tpu.vector_store_idx %arg10[%add3A_350, %select_n3A_372], %gather3A_308 : memref<6400x8xf32, #tpu.memory_space<vmem>>[vector<16xi32>, vector<16xi32>], vector<16xf32>,
        %add3A_373 = arith.constant 34 : i32
        %add3A_374 = vector.broadcast %add3A_373 : i32 to vector<16xi32>
        %add3A_375 = arith.addi %select_n3A_45, %add3A_374 : vector<16xi32>
        %min3A_376 = arith.constant 38 : i32
        %min3A_377 = vector.broadcast %min3A_376 : i32 to vector<16xi32>
        %min3A_378 = arith.minsi %add3A_375, %min3A_377 : vector<16xi32>
        %gather3A_379 = tpu.vector_load_idx %arg6[%broadcast_in_dim3A, %min3A_378, %select_n3A_17] : memref<50x39x8xf32, #tpu.memory_space<vmem>>[vector<16xi32>, vector<16xi32>, vector<16xi32>], vector<16xf32>,
        %add3A_380 = arith.constant 8 : i32
        %add3A_381 = vector.broadcast %add3A_380 : i32 to vector<16xi32>
        %add3A_382 = arith.addi %add3A_381, %select_n3A_45 : vector<16xi32>
        %mul3A_383 = arith.constant 800 : i32
        %mul3A_384 = vector.broadcast %mul3A_383 : i32 to vector<16xi32>
        %mul3A_385 = arith.muli %select_n3A_17, %mul3A_384 : vector<16xi32>
        %add3A_386 = arith.constant 10 : i32
        %add3A_387 = arith.addi %mul3A_90, %add3A_386 : i32
        %add3A_388 = vector.broadcast %add3A_387 : i32 to vector<16xi32>
        %add3A_389 = arith.addi %mul3A_385, %add3A_388 : vector<16xi32>
        %jit3A_390 = arith.constant 8 : i32
        %div3A_391 = vector.broadcast %jit3A_390 : i32 to vector<16xi32>
        %div3A_392 = arith.divsi %add3A_382, %div3A_391 : vector<16xi32>
        %sign3A_393 = arith.constant 0 : i32
        %sign3A_394 = vector.broadcast %sign3A_393 : i32 to vector<16xi32>
        %sign3A_395 = arith.cmpi sgt, %add3A_382, %sign3A_394 : vector<16xi32>
        %sign3A_396 = arith.extui %sign3A_395 : vector<16xi1> to vector<16xi32>
        %sign3A_397 = arith.constant 0 : i32
        %sign3A_398 = vector.broadcast %sign3A_397 : i32 to vector<16xi32>
        %sign3A_399 = arith.cmpi slt, %add3A_382, %sign3A_398 : vector<16xi32>
        %sign3A_400 = arith.extui %sign3A_399 : vector<16xi1> to vector<16xi32>
        %sign3A_401 = arith.subi %sign3A_396, %sign3A_400 : vector<16xi32>
        %sign3A_402 = arith.constant 0 : i32
        %sign3A_403 = arith.cmpi sgt, %jit3A_390, %sign3A_402 : i32
        %sign3A_404 = arith.extui %sign3A_403 : i1 to i32
        %sign3A_405 = arith.constant 0 : i32
        %sign3A_406 = arith.cmpi slt, %jit3A_390, %sign3A_405 : i32
        %sign3A_407 = arith.extui %sign3A_406 : i1 to i32
        %sign3A_408 = arith.subi %sign3A_404, %sign3A_407 : i32
        %ne3A_409 = vector.broadcast %sign3A_408 : i32 to vector<16xi32>
        %ne3A_410 = arith.cmpi ne, %sign3A_401, %ne3A_409 : vector<16xi32>
        %rem3A_411 = vector.broadcast %jit3A_390 : i32 to vector<16xi32>
        %rem3A_412 = arith.remsi %add3A_382, %rem3A_411 : vector<16xi32>
        %ne3A_413 = arith.constant 0 : i32
        %ne3A_414 = vector.broadcast %ne3A_413 : i32 to vector<16xi32>
        %ne3A_415 = arith.cmpi ne, %rem3A_412, %ne3A_414 : vector<16xi32>
        %and3A_416 = arith.andi %ne3A_410, %ne3A_415 : vector<16xi1>
        %sub3A_417 = arith.constant 1 : i32
        %sub3A_418 = vector.broadcast %sub3A_417 : i32 to vector<16xi32>
        %sub3A_419 = arith.subi %div3A_392, %sub3A_418 : vector<16xi32>
        %select_n3A_420 = arith.select %and3A_416, %sub3A_419, %div3A_392 : vector<16xi1>, vector<16xi32>
        %add3A_421 = arith.addi %add3A_389, %select_n3A_420 : vector<16xi32>
        %jit3A_422 = arith.constant 8 : i32
        %eq3A_423 = arith.constant 0 : i32
        %eq3A_424 = arith.cmpi eq, %jit3A_422, %eq3A_423 : i32
        %jit3A_425 = arith.constant 1 : i32
        %select_n3A_426 = arith.select %eq3A_424, %jit3A_425, %jit3A_422 : i32
        %rem3A_427 = vector.broadcast %select_n3A_426 : i32 to vector<16xi32>
        %rem3A_428 = arith.remsi %add3A_382, %rem3A_427 : vector<16xi32>
        %ne3A_429 = arith.constant 0 : i32
        %ne3A_430 = vector.broadcast %ne3A_429 : i32 to vector<16xi32>
        %ne3A_431 = arith.cmpi ne, %rem3A_428, %ne3A_430 : vector<16xi32>
        %lt3A_432 = arith.constant 0 : i32
        %lt3A_433 = vector.broadcast %lt3A_432 : i32 to vector<16xi32>
        %lt3A_434 = arith.cmpi slt, %rem3A_428, %lt3A_433 : vector<16xi32>
        %lt3A_435 = arith.constant 0 : i32
        %lt3A_436 = arith.cmpi slt, %select_n3A_426, %lt3A_435 : i32
        %ne3A_437 = vector.broadcast %lt3A_436 : i1 to vector<16xi1>
        %ne3A_438 = vector.broadcast %ne3A_437 : vector<16xi1> to vector<16xi1>
        %ne3A_439 = arith.xori %lt3A_434, %ne3A_438 : vector<16xi1>
        %and3A_440 = arith.andi %ne3A_439, %ne3A_431 : vector<16xi1>
        %add3A_441 = vector.broadcast %select_n3A_426 : i32 to vector<16xi32>
        %add3A_442 = arith.addi %rem3A_428, %add3A_441 : vector<16xi32>
        %select_n3A_443 = arith.select %and3A_440, %add3A_442, %rem3A_428 : vector<16xi1>, vector<16xi32>
        tpu.vector_store_idx %arg10[%add3A_421, %select_n3A_443], %gather3A_379 : memref<6400x8xf32, #tpu.memory_space<vmem>>[vector<16xi32>, vector<16xi32>], vector<16xf32>,
        %add3A_444 = arith.constant 36 : i32
        %add3A_445 = vector.broadcast %add3A_444 : i32 to vector<16xi32>
        %add3A_446 = arith.addi %select_n3A_45, %add3A_445 : vector<16xi32>
        %min3A_447 = arith.constant 38 : i32
        %min3A_448 = vector.broadcast %min3A_447 : i32 to vector<16xi32>
        %min3A_449 = arith.minsi %add3A_446, %min3A_448 : vector<16xi32>
        %gather3A_450 = tpu.vector_load_idx %arg6[%broadcast_in_dim3A, %min3A_449, %select_n3A_17] : memref<50x39x8xf32, #tpu.memory_space<vmem>>[vector<16xi32>, vector<16xi32>, vector<16xi32>], vector<16xf32>,
        %add3A_451 = arith.constant 10 : i32
        %add3A_452 = vector.broadcast %add3A_451 : i32 to vector<16xi32>
        %add3A_453 = arith.addi %add3A_452, %select_n3A_45 : vector<16xi32>
        %mul3A_454 = arith.constant 800 : i32
        %mul3A_455 = vector.broadcast %mul3A_454 : i32 to vector<16xi32>
        %mul3A_456 = arith.muli %select_n3A_17, %mul3A_455 : vector<16xi32>
        %add3A_457 = arith.constant 10 : i32
        %add3A_458 = arith.addi %mul3A_90, %add3A_457 : i32
        %add3A_459 = vector.broadcast %add3A_458 : i32 to vector<16xi32>
        %add3A_460 = arith.addi %mul3A_456, %add3A_459 : vector<16xi32>
        %jit3A_461 = arith.constant 8 : i32
        %div3A_462 = vector.broadcast %jit3A_461 : i32 to vector<16xi32>
        %div3A_463 = arith.divsi %add3A_453, %div3A_462 : vector<16xi32>
        %sign3A_464 = arith.constant 0 : i32
        %sign3A_465 = vector.broadcast %sign3A_464 : i32 to vector<16xi32>
        %sign3A_466 = arith.cmpi sgt, %add3A_453, %sign3A_465 : vector<16xi32>
        %sign3A_467 = arith.extui %sign3A_466 : vector<16xi1> to vector<16xi32>
        %sign3A_468 = arith.constant 0 : i32
        %sign3A_469 = vector.broadcast %sign3A_468 : i32 to vector<16xi32>
        %sign3A_470 = arith.cmpi slt, %add3A_453, %sign3A_469 : vector<16xi32>
        %sign3A_471 = arith.extui %sign3A_470 : vector<16xi1> to vector<16xi32>
        %sign3A_472 = arith.subi %sign3A_467, %sign3A_471 : vector<16xi32>
        %sign3A_473 = arith.constant 0 : i32
        %sign3A_474 = arith.cmpi sgt, %jit3A_461, %sign3A_473 : i32
        %sign3A_475 = arith.extui %sign3A_474 : i1 to i32
        %sign3A_476 = arith.constant 0 : i32
        %sign3A_477 = arith.cmpi slt, %jit3A_461, %sign3A_476 : i32
        %sign3A_478 = arith.extui %sign3A_477 : i1 to i32
        %sign3A_479 = arith.subi %sign3A_475, %sign3A_478 : i32
        %ne3A_480 = vector.broadcast %sign3A_479 : i32 to vector<16xi32>
        %ne3A_481 = arith.cmpi ne, %sign3A_472, %ne3A_480 : vector<16xi32>
        %rem3A_482 = vector.broadcast %jit3A_461 : i32 to vector<16xi32>
        %rem3A_483 = arith.remsi %add3A_453, %rem3A_482 : vector<16xi32>
        %ne3A_484 = arith.constant 0 : i32
        %ne3A_485 = vector.broadcast %ne3A_484 : i32 to vector<16xi32>
        %ne3A_486 = arith.cmpi ne, %rem3A_483, %ne3A_485 : vector<16xi32>
        %and3A_487 = arith.andi %ne3A_481, %ne3A_486 : vector<16xi1>
        %sub3A_488 = arith.constant 1 : i32
        %sub3A_489 = vector.broadcast %sub3A_488 : i32 to vector<16xi32>
        %sub3A_490 = arith.subi %div3A_463, %sub3A_489 : vector<16xi32>
        %select_n3A_491 = arith.select %and3A_487, %sub3A_490, %div3A_463 : vector<16xi1>, vector<16xi32>
        %add3A_492 = arith.addi %add3A_460, %select_n3A_491 : vector<16xi32>
        %jit3A_493 = arith.constant 8 : i32
        %eq3A_494 = arith.constant 0 : i32
        %eq3A_495 = arith.cmpi eq, %jit3A_493, %eq3A_494 : i32
        %jit3A_496 = arith.constant 1 : i32
        %select_n3A_497 = arith.select %eq3A_495, %jit3A_496, %jit3A_493 : i32
        %rem3A_498 = vector.broadcast %select_n3A_497 : i32 to vector<16xi32>
        %rem3A_499 = arith.remsi %add3A_453, %rem3A_498 : vector<16xi32>
        %ne3A_500 = arith.constant 0 : i32
        %ne3A_501 = vector.broadcast %ne3A_500 : i32 to vector<16xi32>
        %ne3A_502 = arith.cmpi ne, %rem3A_499, %ne3A_501 : vector<16xi32>
        %lt3A_503 = arith.constant 0 : i32
        %lt3A_504 = vector.broadcast %lt3A_503 : i32 to vector<16xi32>
        %lt3A_505 = arith.cmpi slt, %rem3A_499, %lt3A_504 : vector<16xi32>
        %lt3A_506 = arith.constant 0 : i32
        %lt3A_507 = arith.cmpi slt, %select_n3A_497, %lt3A_506 : i32
        %ne3A_508 = vector.broadcast %lt3A_507 : i1 to vector<16xi1>
        %ne3A_509 = vector.broadcast %ne3A_508 : vector<16xi1> to vector<16xi1>
        %ne3A_510 = arith.xori %lt3A_505, %ne3A_509 : vector<16xi1>
        %and3A_511 = arith.andi %ne3A_510, %ne3A_502 : vector<16xi1>
        %add3A_512 = vector.broadcast %select_n3A_497 : i32 to vector<16xi32>
        %add3A_513 = arith.addi %rem3A_499, %add3A_512 : vector<16xi32>
        %select_n3A_514 = arith.select %and3A_511, %add3A_513, %rem3A_499 : vector<16xi1>, vector<16xi32>
        tpu.vector_store_idx %arg10[%add3A_492, %select_n3A_514], %gather3A_450 : memref<6400x8xf32, #tpu.memory_space<vmem>>[vector<16xi32>, vector<16xi32>], vector<16xf32>,
        %add3A_515 = arith.constant 38 : i32
        %add3A_516 = vector.broadcast %add3A_515 : i32 to vector<16xi32>
        %add3A_517 = arith.addi %select_n3A_45, %add3A_516 : vector<16xi32>
        %min3A_518 = arith.constant 38 : i32
        %min3A_519 = vector.broadcast %min3A_518 : i32 to vector<16xi32>
        %min3A_520 = arith.minsi %add3A_517, %min3A_519 : vector<16xi32>
        %gather3A_521 = tpu.vector_load_idx %arg6[%broadcast_in_dim3A, %min3A_520, %select_n3A_17] : memref<50x39x8xf32, #tpu.memory_space<vmem>>[vector<16xi32>, vector<16xi32>, vector<16xi32>], vector<16xf32>,
        %add3A_522 = arith.constant 12 : i32
        %add3A_523 = vector.broadcast %add3A_522 : i32 to vector<16xi32>
        %add3A_524 = arith.addi %add3A_523, %select_n3A_45 : vector<16xi32>
        %mul3A_525 = arith.constant 800 : i32
        %mul3A_526 = vector.broadcast %mul3A_525 : i32 to vector<16xi32>
        %mul3A_527 = arith.muli %select_n3A_17, %mul3A_526 : vector<16xi32>
        %add3A_528 = arith.constant 10 : i32
        %add3A_529 = arith.addi %mul3A_90, %add3A_528 : i32
        %add3A_530 = vector.broadcast %add3A_529 : i32 to vector<16xi32>
        %add3A_531 = arith.addi %mul3A_527, %add3A_530 : vector<16xi32>
        %jit3A_532 = arith.constant 8 : i32
        %div3A_533 = vector.broadcast %jit3A_532 : i32 to vector<16xi32>
        %div3A_534 = arith.divsi %add3A_524, %div3A_533 : vector<16xi32>
        %sign3A_535 = arith.constant 0 : i32
        %sign3A_536 = vector.broadcast %sign3A_535 : i32 to vector<16xi32>
        %sign3A_537 = arith.cmpi sgt, %add3A_524, %sign3A_536 : vector<16xi32>
        %sign3A_538 = arith.extui %sign3A_537 : vector<16xi1> to vector<16xi32>
        %sign3A_539 = arith.constant 0 : i32
        %sign3A_540 = vector.broadcast %sign3A_539 : i32 to vector<16xi32>
        %sign3A_541 = arith.cmpi slt, %add3A_524, %sign3A_540 : vector<16xi32>
        %sign3A_542 = arith.extui %sign3A_541 : vector<16xi1> to vector<16xi32>
        %sign3A_543 = arith.subi %sign3A_538, %sign3A_542 : vector<16xi32>
        %sign3A_544 = arith.constant 0 : i32
        %sign3A_545 = arith.cmpi sgt, %jit3A_532, %sign3A_544 : i32
        %sign3A_546 = arith.extui %sign3A_545 : i1 to i32
        %sign3A_547 = arith.constant 0 : i32
        %sign3A_548 = arith.cmpi slt, %jit3A_532, %sign3A_547 : i32
        %sign3A_549 = arith.extui %sign3A_548 : i1 to i32
        %sign3A_550 = arith.subi %sign3A_546, %sign3A_549 : i32
        %ne3A_551 = vector.broadcast %sign3A_550 : i32 to vector<16xi32>
        %ne3A_552 = arith.cmpi ne, %sign3A_543, %ne3A_551 : vector<16xi32>
        %rem3A_553 = vector.broadcast %jit3A_532 : i32 to vector<16xi32>
        %rem3A_554 = arith.remsi %add3A_524, %rem3A_553 : vector<16xi32>
        %ne3A_555 = arith.constant 0 : i32
        %ne3A_556 = vector.broadcast %ne3A_555 : i32 to vector<16xi32>
        %ne3A_557 = arith.cmpi ne, %rem3A_554, %ne3A_556 : vector<16xi32>
        %and3A_558 = arith.andi %ne3A_552, %ne3A_557 : vector<16xi1>
        %sub3A_559 = arith.constant 1 : i32
        %sub3A_560 = vector.broadcast %sub3A_559 : i32 to vector<16xi32>
        %sub3A_561 = arith.subi %div3A_534, %sub3A_560 : vector<16xi32>
        %select_n3A_562 = arith.select %and3A_558, %sub3A_561, %div3A_534 : vector<16xi1>, vector<16xi32>
        %add3A_563 = arith.addi %add3A_531, %select_n3A_562 : vector<16xi32>
        %jit3A_564 = arith.constant 8 : i32
        %eq3A_565 = arith.constant 0 : i32
        %eq3A_566 = arith.cmpi eq, %jit3A_564, %eq3A_565 : i32
        %jit3A_567 = arith.constant 1 : i32
        %select_n3A_568 = arith.select %eq3A_566, %jit3A_567, %jit3A_564 : i32
        %rem3A_569 = vector.broadcast %select_n3A_568 : i32 to vector<16xi32>
        %rem3A_570 = arith.remsi %add3A_524, %rem3A_569 : vector<16xi32>
        %ne3A_571 = arith.constant 0 : i32
        %ne3A_572 = vector.broadcast %ne3A_571 : i32 to vector<16xi32>
        %ne3A_573 = arith.cmpi ne, %rem3A_570, %ne3A_572 : vector<16xi32>
        %lt3A_574 = arith.constant 0 : i32
        %lt3A_575 = vector.broadcast %lt3A_574 : i32 to vector<16xi32>
        %lt3A_576 = arith.cmpi slt, %rem3A_570, %lt3A_575 : vector<16xi32>
        %lt3A_577 = arith.constant 0 : i32
        %lt3A_578 = arith.cmpi slt, %select_n3A_568, %lt3A_577 : i32
        %ne3A_579 = vector.broadcast %lt3A_578 : i1 to vector<16xi1>
        %ne3A_580 = vector.broadcast %ne3A_579 : vector<16xi1> to vector<16xi1>
        %ne3A_581 = arith.xori %lt3A_576, %ne3A_580 : vector<16xi1>
        %and3A_582 = arith.andi %ne3A_581, %ne3A_573 : vector<16xi1>
        %add3A_583 = vector.broadcast %select_n3A_568 : i32 to vector<16xi32>
        %add3A_584 = arith.addi %rem3A_570, %add3A_583 : vector<16xi32>
        %select_n3A_585 = arith.select %and3A_582, %add3A_584, %rem3A_570 : vector<16xi1>, vector<16xi32>
        tpu.vector_store_idx %arg10[%add3A_563, %select_n3A_585], %gather3A_521 : memref<6400x8xf32, #tpu.memory_space<vmem>>[vector<16xi32>, vector<16xi32>], vector<16xf32>,
      }
      %scan3A_85 = arith.constant 50 : i32
      %mul3A_86 = arith.constant 800 : i32
      %mul3A_87 = arith.muli %add3A_61, %mul3A_86 : i32
      "tpu.region"() ({
        %run_scoped3A = tpu.sem_alloc : memref<!tpu.dma_semaphore, #tpu.memory_space<semaphore_mem>>
        %dma_start3A_88 = arith.constant 0 : i32
        %dma_start3A_89 = tpu.memref_slice %arg5[%mul3A_87, %dma_start3A_88] : memref<3276800x8xf32, #tpu.memory_space<hbm>> -> memref<6400x8xf32, #tpu.memory_space<hbm>>
        %dma_start3A_90 = arith.constant 0 : i32
        %dma_start3A_91 = tpu.memref_slice %arg5[%mul3A_87, %dma_start3A_90] : memref<3276800x8xf32, #tpu.memory_space<hbm>> -> memref<6400x8xf32, #tpu.memory_space<hbm>>
        tpu.enqueue_dma source(%arg10 : memref<6400x8xf32, #tpu.memory_space<vmem>>) target(%dma_start3A_91 : memref<6400x8xf32, #tpu.memory_space<hbm>>) target_semaphore(%run_scoped3A : memref<!tpu.dma_semaphore, #tpu.memory_space<semaphore_mem>>)
        %dma_wait3A_92 = arith.constant 0 : i32
        %dma_wait3A_93 = tpu.memref_slice %arg5[%mul3A_87, %dma_wait3A_92] : memref<3276800x8xf32, #tpu.memory_space<hbm>> -> memref<6400x8xf32, #tpu.memory_space<hbm>>
        %dma_wait3A_94 = arith.constant 0 : i32
        %dma_wait3A_95 = tpu.memref_slice %arg5[%mul3A_87, %dma_wait3A_94] : memref<3276800x8xf32, #tpu.memory_space<hbm>> -> memref<6400x8xf32, #tpu.memory_space<hbm>>
        tpu.wait_dma2 semaphore(%run_scoped3A : memref<!tpu.dma_semaphore, #tpu.memory_space<semaphore_mem>>) src(%arg10 : memref<6400x8xf32, #tpu.memory_space<vmem>>) dst(%dma_wait3A_95 : memref<6400x8xf32, #tpu.memory_space<hbm>>)
        tpu.yield
      }) : () -> ()
    }
    %scan3A_57 = arith.constant 16 : i32
    return
  }
}

module attributes {stable_mosaic.version = 14 : i64} {
  func.func @_dense_body(%arg0: i32, %arg1: memref<800x128xf32, #tpu.memory_space<vmem>>, %arg2: memref<800x128xf32, #tpu.memory_space<vmem>>, %arg3: memref<128x64xf32, #tpu.memory_space<vmem>>, %arg4: memref<128x64xf32, #tpu.memory_space<vmem>>, %arg5: memref<1x64xf32, #tpu.memory_space<vmem>>, %arg6: memref<1x64xf32, #tpu.memory_space<vmem>>, %arg7: memref<1x64xf32, #tpu.memory_space<vmem>>, %arg8: memref<16x50x64xf32, #tpu.memory_space<vmem>>) attributes {dimension_semantics = [#tpu.dimension_semantics<arbitrary>], iteration_bounds = array<i64: 256>, scalar_prefetch = 0 : i64, scratch_operands = 0 : i64, tpu.core_type = #tpu.core_type<tc>, window_params = [{transform_indices = @transform_0, window_bounds = array<i64: 800, 128>}, {transform_indices = @transform_1, window_bounds = array<i64: 800, 128>}, {pipeline_mode = #tpu.pipeline_mode<synchronous>, transform_indices = @transform_2, window_bounds = array<i64: 128, 64>}, {pipeline_mode = #tpu.pipeline_mode<synchronous>, transform_indices = @transform_3, window_bounds = array<i64: 128, 64>}, {pipeline_mode = #tpu.pipeline_mode<synchronous>, transform_indices = @transform_4, window_bounds = array<i64: 1, 64>}, {pipeline_mode = #tpu.pipeline_mode<synchronous>, transform_indices = @transform_5, window_bounds = array<i64: 1, 64>}, {pipeline_mode = #tpu.pipeline_mode<synchronous>, transform_indices = @transform_6, window_bounds = array<i64: 1, 64>}, {transform_indices = @transform_7, window_bounds = array<i64: 16, 50, 64>}]} {
    %get3A = arith.constant 0 : index
    %get3A_0 = arith.constant 0 : index
    %get3A_1 = vector.load %arg3[%get3A, %get3A_0] : memref<128x64xf32, #tpu.memory_space<vmem>>, vector<128x64xf32>
    %get3A_2 = arith.constant 0 : index
    %get3A_3 = arith.constant 0 : index
    %get3A_4 = vector.load %arg4[%get3A_2, %get3A_3] : memref<128x64xf32, #tpu.memory_space<vmem>>, vector<128x64xf32>
    %get3A_5 = arith.constant 0 : index
    %get3A_6 = arith.constant 0 : index
    %get3A_7 = vector.load %arg5[%get3A_5, %get3A_6] : memref<1x64xf32, #tpu.memory_space<vmem>>, vector<1x64xf32>
    %get3A_8 = arith.constant 0 : index
    %get3A_9 = arith.constant 0 : index
    %get3A_10 = vector.load %arg6[%get3A_8, %get3A_9] : memref<1x64xf32, #tpu.memory_space<vmem>>, vector<1x64xf32>
    %get3A_11 = arith.constant 0 : index
    %get3A_12 = arith.constant 0 : index
    %get3A_13 = vector.load %arg7[%get3A_11, %get3A_12] : memref<1x64xf32, #tpu.memory_space<vmem>>, vector<1x64xf32>
    %get3A_14 = arith.constant 0 : index
    %get3A_15 = arith.constant 0 : index
    %get3A_16 = vector.load %arg1[%get3A_14, %get3A_15] : memref<800x128xf32, #tpu.memory_space<vmem>>, vector<50x128xf32>
    %get3A_17 = arith.constant 0 : index
    %get3A_18 = arith.constant 0 : index
    %get3A_19 = vector.load %arg2[%get3A_17, %get3A_18] : memref<800x128xf32, #tpu.memory_space<vmem>>, vector<50x128xf32>
    %dot_general3A = arith.constant dense<0.000000e+00> : vector<50x64xf32>
    %dot_general3A_20 = tpu.matmul %get3A_16, %get3A_1, %dot_general3A {dimension_numbers = #tpu.dot_dimension_numbers<[1], [0], [0], [1], [0, 0, 1, 1], [], []>, transpose_lhs_hint = false} : vector<50x128xf32>, vector<128x64xf32>, vector<50x64xf32> -> vector<50x64xf32>
    %dot_general3A_21 = arith.constant dense<0.000000e+00> : vector<50x64xf32>
    %dot_general3A_22 = tpu.matmul %get3A_19, %get3A_4, %dot_general3A_21 {dimension_numbers = #tpu.dot_dimension_numbers<[1], [0], [0], [1], [0, 0, 1, 1], [], []>, transpose_lhs_hint = false} : vector<50x128xf32>, vector<128x64xf32>, vector<50x64xf32> -> vector<50x64xf32>
    %add3A = arith.addf %dot_general3A_20, %dot_general3A_22 : vector<50x64xf32>
    %add3A_23 = vector.broadcast %get3A_7 : vector<1x64xf32> to vector<50x64xf32>
    %add3A_24 = arith.addf %add3A, %add3A_23 : vector<50x64xf32>
    %max3A = arith.constant 0.000000e+00 : f32
    %max3A_25 = vector.broadcast %max3A : f32 to vector<50x64xf32>
    %max3A_26 = arith.maximumf %add3A_24, %max3A_25 : vector<50x64xf32>
    %mul3A = vector.broadcast %get3A_10 : vector<1x64xf32> to vector<50x64xf32>
    %mul3A_27 = arith.mulf %max3A_26, %mul3A : vector<50x64xf32>
    %add3A_28 = vector.broadcast %get3A_13 : vector<1x64xf32> to vector<50x64xf32>
    %add3A_29 = arith.addf %mul3A_27, %add3A_28 : vector<50x64xf32>
    %swap3A = arith.constant 0 : index
    %swap3A_30 = arith.constant 0 : index
    %swap3A_31 = arith.constant 0 : index
    %swap3A_32 = vector.load %arg8[%swap3A, %swap3A_30, %swap3A_31] : memref<16x50x64xf32, #tpu.memory_space<vmem>>, vector<1x50x64xf32>
    %swap3A_33 = vector.shape_cast %swap3A_32 : vector<1x50x64xf32> to vector<50x64xf32>
    %swap3A_34 = vector.shape_cast %add3A_29 : vector<50x64xf32> to vector<1x50x64xf32>
    tpu.vector_store %arg8[%swap3A, %swap3A_30, %swap3A_31], %swap3A_34 {strides = array<i32>} : memref<16x50x64xf32, #tpu.memory_space<vmem>>, vector<1x50x64xf32>,
    %get3A_35 = arith.constant 50 : index
    %get3A_36 = arith.constant 0 : index
    %get3A_37 = vector.load %arg1[%get3A_35, %get3A_36] : memref<800x128xf32, #tpu.memory_space<vmem>>, vector<50x128xf32>
    %get3A_38 = arith.constant 50 : index
    %get3A_39 = arith.constant 0 : index
    %get3A_40 = vector.load %arg2[%get3A_38, %get3A_39] : memref<800x128xf32, #tpu.memory_space<vmem>>, vector<50x128xf32>
    %dot_general3A_41 = arith.constant dense<0.000000e+00> : vector<50x64xf32>
    %dot_general3A_42 = tpu.matmul %get3A_37, %get3A_1, %dot_general3A_41 {dimension_numbers = #tpu.dot_dimension_numbers<[1], [0], [0], [1], [0, 0, 1, 1], [], []>, transpose_lhs_hint = false} : vector<50x128xf32>, vector<128x64xf32>, vector<50x64xf32> -> vector<50x64xf32>
    %dot_general3A_43 = arith.constant dense<0.000000e+00> : vector<50x64xf32>
    %dot_general3A_44 = tpu.matmul %get3A_40, %get3A_4, %dot_general3A_43 {dimension_numbers = #tpu.dot_dimension_numbers<[1], [0], [0], [1], [0, 0, 1, 1], [], []>, transpose_lhs_hint = false} : vector<50x128xf32>, vector<128x64xf32>, vector<50x64xf32> -> vector<50x64xf32>
    %add3A_45 = arith.addf %dot_general3A_42, %dot_general3A_44 : vector<50x64xf32>
    %add3A_46 = vector.broadcast %get3A_7 : vector<1x64xf32> to vector<50x64xf32>
    %add3A_47 = arith.addf %add3A_45, %add3A_46 : vector<50x64xf32>
    %max3A_48 = arith.constant 0.000000e+00 : f32
    %max3A_49 = vector.broadcast %max3A_48 : f32 to vector<50x64xf32>
    %max3A_50 = arith.maximumf %add3A_47, %max3A_49 : vector<50x64xf32>
    %mul3A_51 = vector.broadcast %get3A_10 : vector<1x64xf32> to vector<50x64xf32>
    %mul3A_52 = arith.mulf %max3A_50, %mul3A_51 : vector<50x64xf32>
    %add3A_53 = vector.broadcast %get3A_13 : vector<1x64xf32> to vector<50x64xf32>
    %add3A_54 = arith.addf %mul3A_52, %add3A_53 : vector<50x64xf32>
    %swap3A_55 = arith.constant 1 : index
    %swap3A_56 = arith.constant 0 : index
    %swap3A_57 = arith.constant 0 : index
    %swap3A_58 = vector.load %arg8[%swap3A_55, %swap3A_56, %swap3A_57] : memref<16x50x64xf32, #tpu.memory_space<vmem>>, vector<1x50x64xf32>
    %swap3A_59 = vector.shape_cast %swap3A_58 : vector<1x50x64xf32> to vector<50x64xf32>
    %swap3A_60 = vector.shape_cast %add3A_54 : vector<50x64xf32> to vector<1x50x64xf32>
    tpu.vector_store %arg8[%swap3A_55, %swap3A_56, %swap3A_57], %swap3A_60 {strides = array<i32>} : memref<16x50x64xf32, #tpu.memory_space<vmem>>, vector<1x50x64xf32>,
    %get3A_61 = arith.constant 100 : index
    %get3A_62 = arith.constant 0 : index
    %get3A_63 = vector.load %arg1[%get3A_61, %get3A_62] : memref<800x128xf32, #tpu.memory_space<vmem>>, vector<50x128xf32>
    %get3A_64 = arith.constant 100 : index
    %get3A_65 = arith.constant 0 : index
    %get3A_66 = vector.load %arg2[%get3A_64, %get3A_65] : memref<800x128xf32, #tpu.memory_space<vmem>>, vector<50x128xf32>
    %dot_general3A_67 = arith.constant dense<0.000000e+00> : vector<50x64xf32>
    %dot_general3A_68 = tpu.matmul %get3A_63, %get3A_1, %dot_general3A_67 {dimension_numbers = #tpu.dot_dimension_numbers<[1], [0], [0], [1], [0, 0, 1, 1], [], []>, transpose_lhs_hint = false} : vector<50x128xf32>, vector<128x64xf32>, vector<50x64xf32> -> vector<50x64xf32>
    %dot_general3A_69 = arith.constant dense<0.000000e+00> : vector<50x64xf32>
    %dot_general3A_70 = tpu.matmul %get3A_66, %get3A_4, %dot_general3A_69 {dimension_numbers = #tpu.dot_dimension_numbers<[1], [0], [0], [1], [0, 0, 1, 1], [], []>, transpose_lhs_hint = false} : vector<50x128xf32>, vector<128x64xf32>, vector<50x64xf32> -> vector<50x64xf32>
    %add3A_71 = arith.addf %dot_general3A_68, %dot_general3A_70 : vector<50x64xf32>
    %add3A_72 = vector.broadcast %get3A_7 : vector<1x64xf32> to vector<50x64xf32>
    %add3A_73 = arith.addf %add3A_71, %add3A_72 : vector<50x64xf32>
    %max3A_74 = arith.constant 0.000000e+00 : f32
    %max3A_75 = vector.broadcast %max3A_74 : f32 to vector<50x64xf32>
    %max3A_76 = arith.maximumf %add3A_73, %max3A_75 : vector<50x64xf32>
    %mul3A_77 = vector.broadcast %get3A_10 : vector<1x64xf32> to vector<50x64xf32>
    %mul3A_78 = arith.mulf %max3A_76, %mul3A_77 : vector<50x64xf32>
    %add3A_79 = vector.broadcast %get3A_13 : vector<1x64xf32> to vector<50x64xf32>
    %add3A_80 = arith.addf %mul3A_78, %add3A_79 : vector<50x64xf32>
    %swap3A_81 = arith.constant 2 : index
    %swap3A_82 = arith.constant 0 : index
    %swap3A_83 = arith.constant 0 : index
    %swap3A_84 = vector.load %arg8[%swap3A_81, %swap3A_82, %swap3A_83] : memref<16x50x64xf32, #tpu.memory_space<vmem>>, vector<1x50x64xf32>
    %swap3A_85 = vector.shape_cast %swap3A_84 : vector<1x50x64xf32> to vector<50x64xf32>
    %swap3A_86 = vector.shape_cast %add3A_80 : vector<50x64xf32> to vector<1x50x64xf32>
    tpu.vector_store %arg8[%swap3A_81, %swap3A_82, %swap3A_83], %swap3A_86 {strides = array<i32>} : memref<16x50x64xf32, #tpu.memory_space<vmem>>, vector<1x50x64xf32>,
    %get3A_87 = arith.constant 150 : index
    %get3A_88 = arith.constant 0 : index
    %get3A_89 = vector.load %arg1[%get3A_87, %get3A_88] : memref<800x128xf32, #tpu.memory_space<vmem>>, vector<50x128xf32>
    %get3A_90 = arith.constant 150 : index
    %get3A_91 = arith.constant 0 : index
    %get3A_92 = vector.load %arg2[%get3A_90, %get3A_91] : memref<800x128xf32, #tpu.memory_space<vmem>>, vector<50x128xf32>
    %dot_general3A_93 = arith.constant dense<0.000000e+00> : vector<50x64xf32>
    %dot_general3A_94 = tpu.matmul %get3A_89, %get3A_1, %dot_general3A_93 {dimension_numbers = #tpu.dot_dimension_numbers<[1], [0], [0], [1], [0, 0, 1, 1], [], []>, transpose_lhs_hint = false} : vector<50x128xf32>, vector<128x64xf32>, vector<50x64xf32> -> vector<50x64xf32>
    %dot_general3A_95 = arith.constant dense<0.000000e+00> : vector<50x64xf32>
    %dot_general3A_96 = tpu.matmul %get3A_92, %get3A_4, %dot_general3A_95 {dimension_numbers = #tpu.dot_dimension_numbers<[1], [0], [0], [1], [0, 0, 1, 1], [], []>, transpose_lhs_hint = false} : vector<50x128xf32>, vector<128x64xf32>, vector<50x64xf32> -> vector<50x64xf32>
    %add3A_97 = arith.addf %dot_general3A_94, %dot_general3A_96 : vector<50x64xf32>
    %add3A_98 = vector.broadcast %get3A_7 : vector<1x64xf32> to vector<50x64xf32>
    %add3A_99 = arith.addf %add3A_97, %add3A_98 : vector<50x64xf32>
    %max3A_100 = arith.constant 0.000000e+00 : f32
    %max3A_101 = vector.broadcast %max3A_100 : f32 to vector<50x64xf32>
    %max3A_102 = arith.maximumf %add3A_99, %max3A_101 : vector<50x64xf32>
    %mul3A_103 = vector.broadcast %get3A_10 : vector<1x64xf32> to vector<50x64xf32>
    %mul3A_104 = arith.mulf %max3A_102, %mul3A_103 : vector<50x64xf32>
    %add3A_105 = vector.broadcast %get3A_13 : vector<1x64xf32> to vector<50x64xf32>
    %add3A_106 = arith.addf %mul3A_104, %add3A_105 : vector<50x64xf32>
    %swap3A_107 = arith.constant 3 : index
    %swap3A_108 = arith.constant 0 : index
    %swap3A_109 = arith.constant 0 : index
    %swap3A_110 = vector.load %arg8[%swap3A_107, %swap3A_108, %swap3A_109] : memref<16x50x64xf32, #tpu.memory_space<vmem>>, vector<1x50x64xf32>
    %swap3A_111 = vector.shape_cast %swap3A_110 : vector<1x50x64xf32> to vector<50x64xf32>
    %swap3A_112 = vector.shape_cast %add3A_106 : vector<50x64xf32> to vector<1x50x64xf32>
    tpu.vector_store %arg8[%swap3A_107, %swap3A_108, %swap3A_109], %swap3A_112 {strides = array<i32>} : memref<16x50x64xf32, #tpu.memory_space<vmem>>, vector<1x50x64xf32>,
    %get3A_113 = arith.constant 200 : index
    %get3A_114 = arith.constant 0 : index
    %get3A_115 = vector.load %arg1[%get3A_113, %get3A_114] : memref<800x128xf32, #tpu.memory_space<vmem>>, vector<50x128xf32>
    %get3A_116 = arith.constant 200 : index
    %get3A_117 = arith.constant 0 : index
    %get3A_118 = vector.load %arg2[%get3A_116, %get3A_117] : memref<800x128xf32, #tpu.memory_space<vmem>>, vector<50x128xf32>
    %dot_general3A_119 = arith.constant dense<0.000000e+00> : vector<50x64xf32>
    %dot_general3A_120 = tpu.matmul %get3A_115, %get3A_1, %dot_general3A_119 {dimension_numbers = #tpu.dot_dimension_numbers<[1], [0], [0], [1], [0, 0, 1, 1], [], []>, transpose_lhs_hint = false} : vector<50x128xf32>, vector<128x64xf32>, vector<50x64xf32> -> vector<50x64xf32>
    %dot_general3A_121 = arith.constant dense<0.000000e+00> : vector<50x64xf32>
    %dot_general3A_122 = tpu.matmul %get3A_118, %get3A_4, %dot_general3A_121 {dimension_numbers = #tpu.dot_dimension_numbers<[1], [0], [0], [1], [0, 0, 1, 1], [], []>, transpose_lhs_hint = false} : vector<50x128xf32>, vector<128x64xf32>, vector<50x64xf32> -> vector<50x64xf32>
    %add3A_123 = arith.addf %dot_general3A_120, %dot_general3A_122 : vector<50x64xf32>
    %add3A_124 = vector.broadcast %get3A_7 : vector<1x64xf32> to vector<50x64xf32>
    %add3A_125 = arith.addf %add3A_123, %add3A_124 : vector<50x64xf32>
    %max3A_126 = arith.constant 0.000000e+00 : f32
    %max3A_127 = vector.broadcast %max3A_126 : f32 to vector<50x64xf32>
    %max3A_128 = arith.maximumf %add3A_125, %max3A_127 : vector<50x64xf32>
    %mul3A_129 = vector.broadcast %get3A_10 : vector<1x64xf32> to vector<50x64xf32>
    %mul3A_130 = arith.mulf %max3A_128, %mul3A_129 : vector<50x64xf32>
    %add3A_131 = vector.broadcast %get3A_13 : vector<1x64xf32> to vector<50x64xf32>
    %add3A_132 = arith.addf %mul3A_130, %add3A_131 : vector<50x64xf32>
    %swap3A_133 = arith.constant 4 : index
    %swap3A_134 = arith.constant 0 : index
    %swap3A_135 = arith.constant 0 : index
    %swap3A_136 = vector.load %arg8[%swap3A_133, %swap3A_134, %swap3A_135] : memref<16x50x64xf32, #tpu.memory_space<vmem>>, vector<1x50x64xf32>
    %swap3A_137 = vector.shape_cast %swap3A_136 : vector<1x50x64xf32> to vector<50x64xf32>
    %swap3A_138 = vector.shape_cast %add3A_132 : vector<50x64xf32> to vector<1x50x64xf32>
    tpu.vector_store %arg8[%swap3A_133, %swap3A_134, %swap3A_135], %swap3A_138 {strides = array<i32>} : memref<16x50x64xf32, #tpu.memory_space<vmem>>, vector<1x50x64xf32>,
    %get3A_139 = arith.constant 250 : index
    %get3A_140 = arith.constant 0 : index
    %get3A_141 = vector.load %arg1[%get3A_139, %get3A_140] : memref<800x128xf32, #tpu.memory_space<vmem>>, vector<50x128xf32>
    %get3A_142 = arith.constant 250 : index
    %get3A_143 = arith.constant 0 : index
    %get3A_144 = vector.load %arg2[%get3A_142, %get3A_143] : memref<800x128xf32, #tpu.memory_space<vmem>>, vector<50x128xf32>
    %dot_general3A_145 = arith.constant dense<0.000000e+00> : vector<50x64xf32>
    %dot_general3A_146 = tpu.matmul %get3A_141, %get3A_1, %dot_general3A_145 {dimension_numbers = #tpu.dot_dimension_numbers<[1], [0], [0], [1], [0, 0, 1, 1], [], []>, transpose_lhs_hint = false} : vector<50x128xf32>, vector<128x64xf32>, vector<50x64xf32> -> vector<50x64xf32>
    %dot_general3A_147 = arith.constant dense<0.000000e+00> : vector<50x64xf32>
    %dot_general3A_148 = tpu.matmul %get3A_144, %get3A_4, %dot_general3A_147 {dimension_numbers = #tpu.dot_dimension_numbers<[1], [0], [0], [1], [0, 0, 1, 1], [], []>, transpose_lhs_hint = false} : vector<50x128xf32>, vector<128x64xf32>, vector<50x64xf32> -> vector<50x64xf32>
    %add3A_149 = arith.addf %dot_general3A_146, %dot_general3A_148 : vector<50x64xf32>
    %add3A_150 = vector.broadcast %get3A_7 : vector<1x64xf32> to vector<50x64xf32>
    %add3A_151 = arith.addf %add3A_149, %add3A_150 : vector<50x64xf32>
    %max3A_152 = arith.constant 0.000000e+00 : f32
    %max3A_153 = vector.broadcast %max3A_152 : f32 to vector<50x64xf32>
    %max3A_154 = arith.maximumf %add3A_151, %max3A_153 : vector<50x64xf32>
    %mul3A_155 = vector.broadcast %get3A_10 : vector<1x64xf32> to vector<50x64xf32>
    %mul3A_156 = arith.mulf %max3A_154, %mul3A_155 : vector<50x64xf32>
    %add3A_157 = vector.broadcast %get3A_13 : vector<1x64xf32> to vector<50x64xf32>
    %add3A_158 = arith.addf %mul3A_156, %add3A_157 : vector<50x64xf32>
    %swap3A_159 = arith.constant 5 : index
    %swap3A_160 = arith.constant 0 : index
    %swap3A_161 = arith.constant 0 : index
    %swap3A_162 = vector.load %arg8[%swap3A_159, %swap3A_160, %swap3A_161] : memref<16x50x64xf32, #tpu.memory_space<vmem>>, vector<1x50x64xf32>
    %swap3A_163 = vector.shape_cast %swap3A_162 : vector<1x50x64xf32> to vector<50x64xf32>
    %swap3A_164 = vector.shape_cast %add3A_158 : vector<50x64xf32> to vector<1x50x64xf32>
    tpu.vector_store %arg8[%swap3A_159, %swap3A_160, %swap3A_161], %swap3A_164 {strides = array<i32>} : memref<16x50x64xf32, #tpu.memory_space<vmem>>, vector<1x50x64xf32>,
    %get3A_165 = arith.constant 300 : index
    %get3A_166 = arith.constant 0 : index
    %get3A_167 = vector.load %arg1[%get3A_165, %get3A_166] : memref<800x128xf32, #tpu.memory_space<vmem>>, vector<50x128xf32>
    %get3A_168 = arith.constant 300 : index
    %get3A_169 = arith.constant 0 : index
    %get3A_170 = vector.load %arg2[%get3A_168, %get3A_169] : memref<800x128xf32, #tpu.memory_space<vmem>>, vector<50x128xf32>
    %dot_general3A_171 = arith.constant dense<0.000000e+00> : vector<50x64xf32>
    %dot_general3A_172 = tpu.matmul %get3A_167, %get3A_1, %dot_general3A_171 {dimension_numbers = #tpu.dot_dimension_numbers<[1], [0], [0], [1], [0, 0, 1, 1], [], []>, transpose_lhs_hint = false} : vector<50x128xf32>, vector<128x64xf32>, vector<50x64xf32> -> vector<50x64xf32>
    %dot_general3A_173 = arith.constant dense<0.000000e+00> : vector<50x64xf32>
    %dot_general3A_174 = tpu.matmul %get3A_170, %get3A_4, %dot_general3A_173 {dimension_numbers = #tpu.dot_dimension_numbers<[1], [0], [0], [1], [0, 0, 1, 1], [], []>, transpose_lhs_hint = false} : vector<50x128xf32>, vector<128x64xf32>, vector<50x64xf32> -> vector<50x64xf32>
    %add3A_175 = arith.addf %dot_general3A_172, %dot_general3A_174 : vector<50x64xf32>
    %add3A_176 = vector.broadcast %get3A_7 : vector<1x64xf32> to vector<50x64xf32>
    %add3A_177 = arith.addf %add3A_175, %add3A_176 : vector<50x64xf32>
    %max3A_178 = arith.constant 0.000000e+00 : f32
    %max3A_179 = vector.broadcast %max3A_178 : f32 to vector<50x64xf32>
    %max3A_180 = arith.maximumf %add3A_177, %max3A_179 : vector<50x64xf32>
    %mul3A_181 = vector.broadcast %get3A_10 : vector<1x64xf32> to vector<50x64xf32>
    %mul3A_182 = arith.mulf %max3A_180, %mul3A_181 : vector<50x64xf32>
    %add3A_183 = vector.broadcast %get3A_13 : vector<1x64xf32> to vector<50x64xf32>
    %add3A_184 = arith.addf %mul3A_182, %add3A_183 : vector<50x64xf32>
    %swap3A_185 = arith.constant 6 : index
    %swap3A_186 = arith.constant 0 : index
    %swap3A_187 = arith.constant 0 : index
    %swap3A_188 = vector.load %arg8[%swap3A_185, %swap3A_186, %swap3A_187] : memref<16x50x64xf32, #tpu.memory_space<vmem>>, vector<1x50x64xf32>
    %swap3A_189 = vector.shape_cast %swap3A_188 : vector<1x50x64xf32> to vector<50x64xf32>
    %swap3A_190 = vector.shape_cast %add3A_184 : vector<50x64xf32> to vector<1x50x64xf32>
    tpu.vector_store %arg8[%swap3A_185, %swap3A_186, %swap3A_187], %swap3A_190 {strides = array<i32>} : memref<16x50x64xf32, #tpu.memory_space<vmem>>, vector<1x50x64xf32>,
    %get3A_191 = arith.constant 350 : index
    %get3A_192 = arith.constant 0 : index
    %get3A_193 = vector.load %arg1[%get3A_191, %get3A_192] : memref<800x128xf32, #tpu.memory_space<vmem>>, vector<50x128xf32>
    %get3A_194 = arith.constant 350 : index
    %get3A_195 = arith.constant 0 : index
    %get3A_196 = vector.load %arg2[%get3A_194, %get3A_195] : memref<800x128xf32, #tpu.memory_space<vmem>>, vector<50x128xf32>
    %dot_general3A_197 = arith.constant dense<0.000000e+00> : vector<50x64xf32>
    %dot_general3A_198 = tpu.matmul %get3A_193, %get3A_1, %dot_general3A_197 {dimension_numbers = #tpu.dot_dimension_numbers<[1], [0], [0], [1], [0, 0, 1, 1], [], []>, transpose_lhs_hint = false} : vector<50x128xf32>, vector<128x64xf32>, vector<50x64xf32> -> vector<50x64xf32>
    %dot_general3A_199 = arith.constant dense<0.000000e+00> : vector<50x64xf32>
    %dot_general3A_200 = tpu.matmul %get3A_196, %get3A_4, %dot_general3A_199 {dimension_numbers = #tpu.dot_dimension_numbers<[1], [0], [0], [1], [0, 0, 1, 1], [], []>, transpose_lhs_hint = false} : vector<50x128xf32>, vector<128x64xf32>, vector<50x64xf32> -> vector<50x64xf32>
    %add3A_201 = arith.addf %dot_general3A_198, %dot_general3A_200 : vector<50x64xf32>
    %add3A_202 = vector.broadcast %get3A_7 : vector<1x64xf32> to vector<50x64xf32>
    %add3A_203 = arith.addf %add3A_201, %add3A_202 : vector<50x64xf32>
    %max3A_204 = arith.constant 0.000000e+00 : f32
    %max3A_205 = vector.broadcast %max3A_204 : f32 to vector<50x64xf32>
    %max3A_206 = arith.maximumf %add3A_203, %max3A_205 : vector<50x64xf32>
    %mul3A_207 = vector.broadcast %get3A_10 : vector<1x64xf32> to vector<50x64xf32>
    %mul3A_208 = arith.mulf %max3A_206, %mul3A_207 : vector<50x64xf32>
    %add3A_209 = vector.broadcast %get3A_13 : vector<1x64xf32> to vector<50x64xf32>
    %add3A_210 = arith.addf %mul3A_208, %add3A_209 : vector<50x64xf32>
    %swap3A_211 = arith.constant 7 : index
    %swap3A_212 = arith.constant 0 : index
    %swap3A_213 = arith.constant 0 : index
    %swap3A_214 = vector.load %arg8[%swap3A_211, %swap3A_212, %swap3A_213] : memref<16x50x64xf32, #tpu.memory_space<vmem>>, vector<1x50x64xf32>
    %swap3A_215 = vector.shape_cast %swap3A_214 : vector<1x50x64xf32> to vector<50x64xf32>
    %swap3A_216 = vector.shape_cast %add3A_210 : vector<50x64xf32> to vector<1x50x64xf32>
    tpu.vector_store %arg8[%swap3A_211, %swap3A_212, %swap3A_213], %swap3A_216 {strides = array<i32>} : memref<16x50x64xf32, #tpu.memory_space<vmem>>, vector<1x50x64xf32>,
    %get3A_217 = arith.constant 400 : index
    %get3A_218 = arith.constant 0 : index
    %get3A_219 = vector.load %arg1[%get3A_217, %get3A_218] : memref<800x128xf32, #tpu.memory_space<vmem>>, vector<50x128xf32>
    %get3A_220 = arith.constant 400 : index
    %get3A_221 = arith.constant 0 : index
    %get3A_222 = vector.load %arg2[%get3A_220, %get3A_221] : memref<800x128xf32, #tpu.memory_space<vmem>>, vector<50x128xf32>
    %dot_general3A_223 = arith.constant dense<0.000000e+00> : vector<50x64xf32>
    %dot_general3A_224 = tpu.matmul %get3A_219, %get3A_1, %dot_general3A_223 {dimension_numbers = #tpu.dot_dimension_numbers<[1], [0], [0], [1], [0, 0, 1, 1], [], []>, transpose_lhs_hint = false} : vector<50x128xf32>, vector<128x64xf32>, vector<50x64xf32> -> vector<50x64xf32>
    %dot_general3A_225 = arith.constant dense<0.000000e+00> : vector<50x64xf32>
    %dot_general3A_226 = tpu.matmul %get3A_222, %get3A_4, %dot_general3A_225 {dimension_numbers = #tpu.dot_dimension_numbers<[1], [0], [0], [1], [0, 0, 1, 1], [], []>, transpose_lhs_hint = false} : vector<50x128xf32>, vector<128x64xf32>, vector<50x64xf32> -> vector<50x64xf32>
    %add3A_227 = arith.addf %dot_general3A_224, %dot_general3A_226 : vector<50x64xf32>
    %add3A_228 = vector.broadcast %get3A_7 : vector<1x64xf32> to vector<50x64xf32>
    %add3A_229 = arith.addf %add3A_227, %add3A_228 : vector<50x64xf32>
    %max3A_230 = arith.constant 0.000000e+00 : f32
    %max3A_231 = vector.broadcast %max3A_230 : f32 to vector<50x64xf32>
    %max3A_232 = arith.maximumf %add3A_229, %max3A_231 : vector<50x64xf32>
    %mul3A_233 = vector.broadcast %get3A_10 : vector<1x64xf32> to vector<50x64xf32>
    %mul3A_234 = arith.mulf %max3A_232, %mul3A_233 : vector<50x64xf32>
    %add3A_235 = vector.broadcast %get3A_13 : vector<1x64xf32> to vector<50x64xf32>
    %add3A_236 = arith.addf %mul3A_234, %add3A_235 : vector<50x64xf32>
    %swap3A_237 = arith.constant 8 : index
    %swap3A_238 = arith.constant 0 : index
    %swap3A_239 = arith.constant 0 : index
    %swap3A_240 = vector.load %arg8[%swap3A_237, %swap3A_238, %swap3A_239] : memref<16x50x64xf32, #tpu.memory_space<vmem>>, vector<1x50x64xf32>
    %swap3A_241 = vector.shape_cast %swap3A_240 : vector<1x50x64xf32> to vector<50x64xf32>
    %swap3A_242 = vector.shape_cast %add3A_236 : vector<50x64xf32> to vector<1x50x64xf32>
    tpu.vector_store %arg8[%swap3A_237, %swap3A_238, %swap3A_239], %swap3A_242 {strides = array<i32>} : memref<16x50x64xf32, #tpu.memory_space<vmem>>, vector<1x50x64xf32>,
    %get3A_243 = arith.constant 450 : index
    %get3A_244 = arith.constant 0 : index
    %get3A_245 = vector.load %arg1[%get3A_243, %get3A_244] : memref<800x128xf32, #tpu.memory_space<vmem>>, vector<50x128xf32>
    %get3A_246 = arith.constant 450 : index
    %get3A_247 = arith.constant 0 : index
    %get3A_248 = vector.load %arg2[%get3A_246, %get3A_247] : memref<800x128xf32, #tpu.memory_space<vmem>>, vector<50x128xf32>
    %dot_general3A_249 = arith.constant dense<0.000000e+00> : vector<50x64xf32>
    %dot_general3A_250 = tpu.matmul %get3A_245, %get3A_1, %dot_general3A_249 {dimension_numbers = #tpu.dot_dimension_numbers<[1], [0], [0], [1], [0, 0, 1, 1], [], []>, transpose_lhs_hint = false} : vector<50x128xf32>, vector<128x64xf32>, vector<50x64xf32> -> vector<50x64xf32>
    %dot_general3A_251 = arith.constant dense<0.000000e+00> : vector<50x64xf32>
    %dot_general3A_252 = tpu.matmul %get3A_248, %get3A_4, %dot_general3A_251 {dimension_numbers = #tpu.dot_dimension_numbers<[1], [0], [0], [1], [0, 0, 1, 1], [], []>, transpose_lhs_hint = false} : vector<50x128xf32>, vector<128x64xf32>, vector<50x64xf32> -> vector<50x64xf32>
    %add3A_253 = arith.addf %dot_general3A_250, %dot_general3A_252 : vector<50x64xf32>
    %add3A_254 = vector.broadcast %get3A_7 : vector<1x64xf32> to vector<50x64xf32>
    %add3A_255 = arith.addf %add3A_253, %add3A_254 : vector<50x64xf32>
    %max3A_256 = arith.constant 0.000000e+00 : f32
    %max3A_257 = vector.broadcast %max3A_256 : f32 to vector<50x64xf32>
    %max3A_258 = arith.maximumf %add3A_255, %max3A_257 : vector<50x64xf32>
    %mul3A_259 = vector.broadcast %get3A_10 : vector<1x64xf32> to vector<50x64xf32>
    %mul3A_260 = arith.mulf %max3A_258, %mul3A_259 : vector<50x64xf32>
    %add3A_261 = vector.broadcast %get3A_13 : vector<1x64xf32> to vector<50x64xf32>
    %add3A_262 = arith.addf %mul3A_260, %add3A_261 : vector<50x64xf32>
    %swap3A_263 = arith.constant 9 : index
    %swap3A_264 = arith.constant 0 : index
    %swap3A_265 = arith.constant 0 : index
    %swap3A_266 = vector.load %arg8[%swap3A_263, %swap3A_264, %swap3A_265] : memref<16x50x64xf32, #tpu.memory_space<vmem>>, vector<1x50x64xf32>
    %swap3A_267 = vector.shape_cast %swap3A_266 : vector<1x50x64xf32> to vector<50x64xf32>
    %swap3A_268 = vector.shape_cast %add3A_262 : vector<50x64xf32> to vector<1x50x64xf32>
    tpu.vector_store %arg8[%swap3A_263, %swap3A_264, %swap3A_265], %swap3A_268 {strides = array<i32>} : memref<16x50x64xf32, #tpu.memory_space<vmem>>, vector<1x50x64xf32>,
    %get3A_269 = arith.constant 500 : index
    %get3A_270 = arith.constant 0 : index
    %get3A_271 = vector.load %arg1[%get3A_269, %get3A_270] : memref<800x128xf32, #tpu.memory_space<vmem>>, vector<50x128xf32>
    %get3A_272 = arith.constant 500 : index
    %get3A_273 = arith.constant 0 : index
    %get3A_274 = vector.load %arg2[%get3A_272, %get3A_273] : memref<800x128xf32, #tpu.memory_space<vmem>>, vector<50x128xf32>
    %dot_general3A_275 = arith.constant dense<0.000000e+00> : vector<50x64xf32>
    %dot_general3A_276 = tpu.matmul %get3A_271, %get3A_1, %dot_general3A_275 {dimension_numbers = #tpu.dot_dimension_numbers<[1], [0], [0], [1], [0, 0, 1, 1], [], []>, transpose_lhs_hint = false} : vector<50x128xf32>, vector<128x64xf32>, vector<50x64xf32> -> vector<50x64xf32>
    %dot_general3A_277 = arith.constant dense<0.000000e+00> : vector<50x64xf32>
    %dot_general3A_278 = tpu.matmul %get3A_274, %get3A_4, %dot_general3A_277 {dimension_numbers = #tpu.dot_dimension_numbers<[1], [0], [0], [1], [0, 0, 1, 1], [], []>, transpose_lhs_hint = false} : vector<50x128xf32>, vector<128x64xf32>, vector<50x64xf32> -> vector<50x64xf32>
    %add3A_279 = arith.addf %dot_general3A_276, %dot_general3A_278 : vector<50x64xf32>
    %add3A_280 = vector.broadcast %get3A_7 : vector<1x64xf32> to vector<50x64xf32>
    %add3A_281 = arith.addf %add3A_279, %add3A_280 : vector<50x64xf32>
    %max3A_282 = arith.constant 0.000000e+00 : f32
    %max3A_283 = vector.broadcast %max3A_282 : f32 to vector<50x64xf32>
    %max3A_284 = arith.maximumf %add3A_281, %max3A_283 : vector<50x64xf32>
    %mul3A_285 = vector.broadcast %get3A_10 : vector<1x64xf32> to vector<50x64xf32>
    %mul3A_286 = arith.mulf %max3A_284, %mul3A_285 : vector<50x64xf32>
    %add3A_287 = vector.broadcast %get3A_13 : vector<1x64xf32> to vector<50x64xf32>
    %add3A_288 = arith.addf %mul3A_286, %add3A_287 : vector<50x64xf32>
    %swap3A_289 = arith.constant 10 : index
    %swap3A_290 = arith.constant 0 : index
    %swap3A_291 = arith.constant 0 : index
    %swap3A_292 = vector.load %arg8[%swap3A_289, %swap3A_290, %swap3A_291] : memref<16x50x64xf32, #tpu.memory_space<vmem>>, vector<1x50x64xf32>
    %swap3A_293 = vector.shape_cast %swap3A_292 : vector<1x50x64xf32> to vector<50x64xf32>
    %swap3A_294 = vector.shape_cast %add3A_288 : vector<50x64xf32> to vector<1x50x64xf32>
    tpu.vector_store %arg8[%swap3A_289, %swap3A_290, %swap3A_291], %swap3A_294 {strides = array<i32>} : memref<16x50x64xf32, #tpu.memory_space<vmem>>, vector<1x50x64xf32>,
    %get3A_295 = arith.constant 550 : index
    %get3A_296 = arith.constant 0 : index
    %get3A_297 = vector.load %arg1[%get3A_295, %get3A_296] : memref<800x128xf32, #tpu.memory_space<vmem>>, vector<50x128xf32>
    %get3A_298 = arith.constant 550 : index
    %get3A_299 = arith.constant 0 : index
    %get3A_300 = vector.load %arg2[%get3A_298, %get3A_299] : memref<800x128xf32, #tpu.memory_space<vmem>>, vector<50x128xf32>
    %dot_general3A_301 = arith.constant dense<0.000000e+00> : vector<50x64xf32>
    %dot_general3A_302 = tpu.matmul %get3A_297, %get3A_1, %dot_general3A_301 {dimension_numbers = #tpu.dot_dimension_numbers<[1], [0], [0], [1], [0, 0, 1, 1], [], []>, transpose_lhs_hint = false} : vector<50x128xf32>, vector<128x64xf32>, vector<50x64xf32> -> vector<50x64xf32>
    %dot_general3A_303 = arith.constant dense<0.000000e+00> : vector<50x64xf32>
    %dot_general3A_304 = tpu.matmul %get3A_300, %get3A_4, %dot_general3A_303 {dimension_numbers = #tpu.dot_dimension_numbers<[1], [0], [0], [1], [0, 0, 1, 1], [], []>, transpose_lhs_hint = false} : vector<50x128xf32>, vector<128x64xf32>, vector<50x64xf32> -> vector<50x64xf32>
    %add3A_305 = arith.addf %dot_general3A_302, %dot_general3A_304 : vector<50x64xf32>
    %add3A_306 = vector.broadcast %get3A_7 : vector<1x64xf32> to vector<50x64xf32>
    %add3A_307 = arith.addf %add3A_305, %add3A_306 : vector<50x64xf32>
    %max3A_308 = arith.constant 0.000000e+00 : f32
    %max3A_309 = vector.broadcast %max3A_308 : f32 to vector<50x64xf32>
    %max3A_310 = arith.maximumf %add3A_307, %max3A_309 : vector<50x64xf32>
    %mul3A_311 = vector.broadcast %get3A_10 : vector<1x64xf32> to vector<50x64xf32>
    %mul3A_312 = arith.mulf %max3A_310, %mul3A_311 : vector<50x64xf32>
    %add3A_313 = vector.broadcast %get3A_13 : vector<1x64xf32> to vector<50x64xf32>
    %add3A_314 = arith.addf %mul3A_312, %add3A_313 : vector<50x64xf32>
    %swap3A_315 = arith.constant 11 : index
    %swap3A_316 = arith.constant 0 : index
    %swap3A_317 = arith.constant 0 : index
    %swap3A_318 = vector.load %arg8[%swap3A_315, %swap3A_316, %swap3A_317] : memref<16x50x64xf32, #tpu.memory_space<vmem>>, vector<1x50x64xf32>
    %swap3A_319 = vector.shape_cast %swap3A_318 : vector<1x50x64xf32> to vector<50x64xf32>
    %swap3A_320 = vector.shape_cast %add3A_314 : vector<50x64xf32> to vector<1x50x64xf32>
    tpu.vector_store %arg8[%swap3A_315, %swap3A_316, %swap3A_317], %swap3A_320 {strides = array<i32>} : memref<16x50x64xf32, #tpu.memory_space<vmem>>, vector<1x50x64xf32>,
    %get3A_321 = arith.constant 600 : index
    %get3A_322 = arith.constant 0 : index
    %get3A_323 = vector.load %arg1[%get3A_321, %get3A_322] : memref<800x128xf32, #tpu.memory_space<vmem>>, vector<50x128xf32>
    %get3A_324 = arith.constant 600 : index
    %get3A_325 = arith.constant 0 : index
    %get3A_326 = vector.load %arg2[%get3A_324, %get3A_325] : memref<800x128xf32, #tpu.memory_space<vmem>>, vector<50x128xf32>
    %dot_general3A_327 = arith.constant dense<0.000000e+00> : vector<50x64xf32>
    %dot_general3A_328 = tpu.matmul %get3A_323, %get3A_1, %dot_general3A_327 {dimension_numbers = #tpu.dot_dimension_numbers<[1], [0], [0], [1], [0, 0, 1, 1], [], []>, transpose_lhs_hint = false} : vector<50x128xf32>, vector<128x64xf32>, vector<50x64xf32> -> vector<50x64xf32>
    %dot_general3A_329 = arith.constant dense<0.000000e+00> : vector<50x64xf32>
    %dot_general3A_330 = tpu.matmul %get3A_326, %get3A_4, %dot_general3A_329 {dimension_numbers = #tpu.dot_dimension_numbers<[1], [0], [0], [1], [0, 0, 1, 1], [], []>, transpose_lhs_hint = false} : vector<50x128xf32>, vector<128x64xf32>, vector<50x64xf32> -> vector<50x64xf32>
    %add3A_331 = arith.addf %dot_general3A_328, %dot_general3A_330 : vector<50x64xf32>
    %add3A_332 = vector.broadcast %get3A_7 : vector<1x64xf32> to vector<50x64xf32>
    %add3A_333 = arith.addf %add3A_331, %add3A_332 : vector<50x64xf32>
    %max3A_334 = arith.constant 0.000000e+00 : f32
    %max3A_335 = vector.broadcast %max3A_334 : f32 to vector<50x64xf32>
    %max3A_336 = arith.maximumf %add3A_333, %max3A_335 : vector<50x64xf32>
    %mul3A_337 = vector.broadcast %get3A_10 : vector<1x64xf32> to vector<50x64xf32>
    %mul3A_338 = arith.mulf %max3A_336, %mul3A_337 : vector<50x64xf32>
    %add3A_339 = vector.broadcast %get3A_13 : vector<1x64xf32> to vector<50x64xf32>
    %add3A_340 = arith.addf %mul3A_338, %add3A_339 : vector<50x64xf32>
    %swap3A_341 = arith.constant 12 : index
    %swap3A_342 = arith.constant 0 : index
    %swap3A_343 = arith.constant 0 : index
    %swap3A_344 = vector.load %arg8[%swap3A_341, %swap3A_342, %swap3A_343] : memref<16x50x64xf32, #tpu.memory_space<vmem>>, vector<1x50x64xf32>
    %swap3A_345 = vector.shape_cast %swap3A_344 : vector<1x50x64xf32> to vector<50x64xf32>
    %swap3A_346 = vector.shape_cast %add3A_340 : vector<50x64xf32> to vector<1x50x64xf32>
    tpu.vector_store %arg8[%swap3A_341, %swap3A_342, %swap3A_343], %swap3A_346 {strides = array<i32>} : memref<16x50x64xf32, #tpu.memory_space<vmem>>, vector<1x50x64xf32>,
    %get3A_347 = arith.constant 650 : index
    %get3A_348 = arith.constant 0 : index
    %get3A_349 = vector.load %arg1[%get3A_347, %get3A_348] : memref<800x128xf32, #tpu.memory_space<vmem>>, vector<50x128xf32>
    %get3A_350 = arith.constant 650 : index
    %get3A_351 = arith.constant 0 : index
    %get3A_352 = vector.load %arg2[%get3A_350, %get3A_351] : memref<800x128xf32, #tpu.memory_space<vmem>>, vector<50x128xf32>
    %dot_general3A_353 = arith.constant dense<0.000000e+00> : vector<50x64xf32>
    %dot_general3A_354 = tpu.matmul %get3A_349, %get3A_1, %dot_general3A_353 {dimension_numbers = #tpu.dot_dimension_numbers<[1], [0], [0], [1], [0, 0, 1, 1], [], []>, transpose_lhs_hint = false} : vector<50x128xf32>, vector<128x64xf32>, vector<50x64xf32> -> vector<50x64xf32>
    %dot_general3A_355 = arith.constant dense<0.000000e+00> : vector<50x64xf32>
    %dot_general3A_356 = tpu.matmul %get3A_352, %get3A_4, %dot_general3A_355 {dimension_numbers = #tpu.dot_dimension_numbers<[1], [0], [0], [1], [0, 0, 1, 1], [], []>, transpose_lhs_hint = false} : vector<50x128xf32>, vector<128x64xf32>, vector<50x64xf32> -> vector<50x64xf32>
    %add3A_357 = arith.addf %dot_general3A_354, %dot_general3A_356 : vector<50x64xf32>
    %add3A_358 = vector.broadcast %get3A_7 : vector<1x64xf32> to vector<50x64xf32>
    %add3A_359 = arith.addf %add3A_357, %add3A_358 : vector<50x64xf32>
    %max3A_360 = arith.constant 0.000000e+00 : f32
    %max3A_361 = vector.broadcast %max3A_360 : f32 to vector<50x64xf32>
    %max3A_362 = arith.maximumf %add3A_359, %max3A_361 : vector<50x64xf32>
    %mul3A_363 = vector.broadcast %get3A_10 : vector<1x64xf32> to vector<50x64xf32>
    %mul3A_364 = arith.mulf %max3A_362, %mul3A_363 : vector<50x64xf32>
    %add3A_365 = vector.broadcast %get3A_13 : vector<1x64xf32> to vector<50x64xf32>
    %add3A_366 = arith.addf %mul3A_364, %add3A_365 : vector<50x64xf32>
    %swap3A_367 = arith.constant 13 : index
    %swap3A_368 = arith.constant 0 : index
    %swap3A_369 = arith.constant 0 : index
    %swap3A_370 = vector.load %arg8[%swap3A_367, %swap3A_368, %swap3A_369] : memref<16x50x64xf32, #tpu.memory_space<vmem>>, vector<1x50x64xf32>
    %swap3A_371 = vector.shape_cast %swap3A_370 : vector<1x50x64xf32> to vector<50x64xf32>
    %swap3A_372 = vector.shape_cast %add3A_366 : vector<50x64xf32> to vector<1x50x64xf32>
    tpu.vector_store %arg8[%swap3A_367, %swap3A_368, %swap3A_369], %swap3A_372 {strides = array<i32>} : memref<16x50x64xf32, #tpu.memory_space<vmem>>, vector<1x50x64xf32>,
    %get3A_373 = arith.constant 700 : index
    %get3A_374 = arith.constant 0 : index
    %get3A_375 = vector.load %arg1[%get3A_373, %get3A_374] : memref<800x128xf32, #tpu.memory_space<vmem>>, vector<50x128xf32>
    %get3A_376 = arith.constant 700 : index
    %get3A_377 = arith.constant 0 : index
    %get3A_378 = vector.load %arg2[%get3A_376, %get3A_377] : memref<800x128xf32, #tpu.memory_space<vmem>>, vector<50x128xf32>
    %dot_general3A_379 = arith.constant dense<0.000000e+00> : vector<50x64xf32>
    %dot_general3A_380 = tpu.matmul %get3A_375, %get3A_1, %dot_general3A_379 {dimension_numbers = #tpu.dot_dimension_numbers<[1], [0], [0], [1], [0, 0, 1, 1], [], []>, transpose_lhs_hint = false} : vector<50x128xf32>, vector<128x64xf32>, vector<50x64xf32> -> vector<50x64xf32>
    %dot_general3A_381 = arith.constant dense<0.000000e+00> : vector<50x64xf32>
    %dot_general3A_382 = tpu.matmul %get3A_378, %get3A_4, %dot_general3A_381 {dimension_numbers = #tpu.dot_dimension_numbers<[1], [0], [0], [1], [0, 0, 1, 1], [], []>, transpose_lhs_hint = false} : vector<50x128xf32>, vector<128x64xf32>, vector<50x64xf32> -> vector<50x64xf32>
    %add3A_383 = arith.addf %dot_general3A_380, %dot_general3A_382 : vector<50x64xf32>
    %add3A_384 = vector.broadcast %get3A_7 : vector<1x64xf32> to vector<50x64xf32>
    %add3A_385 = arith.addf %add3A_383, %add3A_384 : vector<50x64xf32>
    %max3A_386 = arith.constant 0.000000e+00 : f32
    %max3A_387 = vector.broadcast %max3A_386 : f32 to vector<50x64xf32>
    %max3A_388 = arith.maximumf %add3A_385, %max3A_387 : vector<50x64xf32>
    %mul3A_389 = vector.broadcast %get3A_10 : vector<1x64xf32> to vector<50x64xf32>
    %mul3A_390 = arith.mulf %max3A_388, %mul3A_389 : vector<50x64xf32>
    %add3A_391 = vector.broadcast %get3A_13 : vector<1x64xf32> to vector<50x64xf32>
    %add3A_392 = arith.addf %mul3A_390, %add3A_391 : vector<50x64xf32>
    %swap3A_393 = arith.constant 14 : index
    %swap3A_394 = arith.constant 0 : index
    %swap3A_395 = arith.constant 0 : index
    %swap3A_396 = vector.load %arg8[%swap3A_393, %swap3A_394, %swap3A_395] : memref<16x50x64xf32, #tpu.memory_space<vmem>>, vector<1x50x64xf32>
    %swap3A_397 = vector.shape_cast %swap3A_396 : vector<1x50x64xf32> to vector<50x64xf32>
    %swap3A_398 = vector.shape_cast %add3A_392 : vector<50x64xf32> to vector<1x50x64xf32>
    tpu.vector_store %arg8[%swap3A_393, %swap3A_394, %swap3A_395], %swap3A_398 {strides = array<i32>} : memref<16x50x64xf32, #tpu.memory_space<vmem>>, vector<1x50x64xf32>,
    %get3A_399 = arith.constant 750 : index
    %get3A_400 = arith.constant 0 : index
    %get3A_401 = vector.load %arg1[%get3A_399, %get3A_400] : memref<800x128xf32, #tpu.memory_space<vmem>>, vector<50x128xf32>
    %get3A_402 = arith.constant 750 : index
    %get3A_403 = arith.constant 0 : index
    %get3A_404 = vector.load %arg2[%get3A_402, %get3A_403] : memref<800x128xf32, #tpu.memory_space<vmem>>, vector<50x128xf32>
    %dot_general3A_405 = arith.constant dense<0.000000e+00> : vector<50x64xf32>
    %dot_general3A_406 = tpu.matmul %get3A_401, %get3A_1, %dot_general3A_405 {dimension_numbers = #tpu.dot_dimension_numbers<[1], [0], [0], [1], [0, 0, 1, 1], [], []>, transpose_lhs_hint = false} : vector<50x128xf32>, vector<128x64xf32>, vector<50x64xf32> -> vector<50x64xf32>
    %dot_general3A_407 = arith.constant dense<0.000000e+00> : vector<50x64xf32>
    %dot_general3A_408 = tpu.matmul %get3A_404, %get3A_4, %dot_general3A_407 {dimension_numbers = #tpu.dot_dimension_numbers<[1], [0], [0], [1], [0, 0, 1, 1], [], []>, transpose_lhs_hint = false} : vector<50x128xf32>, vector<128x64xf32>, vector<50x64xf32> -> vector<50x64xf32>
    %add3A_409 = arith.addf %dot_general3A_406, %dot_general3A_408 : vector<50x64xf32>
    %add3A_410 = vector.broadcast %get3A_7 : vector<1x64xf32> to vector<50x64xf32>
    %add3A_411 = arith.addf %add3A_409, %add3A_410 : vector<50x64xf32>
    %max3A_412 = arith.constant 0.000000e+00 : f32
    %max3A_413 = vector.broadcast %max3A_412 : f32 to vector<50x64xf32>
    %max3A_414 = arith.maximumf %add3A_411, %max3A_413 : vector<50x64xf32>
    %mul3A_415 = vector.broadcast %get3A_10 : vector<1x64xf32> to vector<50x64xf32>
    %mul3A_416 = arith.mulf %max3A_414, %mul3A_415 : vector<50x64xf32>
    %add3A_417 = vector.broadcast %get3A_13 : vector<1x64xf32> to vector<50x64xf32>
    %add3A_418 = arith.addf %mul3A_416, %add3A_417 : vector<50x64xf32>
    %swap3A_419 = arith.constant 15 : index
    %swap3A_420 = arith.constant 0 : index
    %swap3A_421 = arith.constant 0 : index
    %swap3A_422 = vector.load %arg8[%swap3A_419, %swap3A_420, %swap3A_421] : memref<16x50x64xf32, #tpu.memory_space<vmem>>, vector<1x50x64xf32>
    %swap3A_423 = vector.shape_cast %swap3A_422 : vector<1x50x64xf32> to vector<50x64xf32>
    %swap3A_424 = vector.shape_cast %add3A_418 : vector<50x64xf32> to vector<1x50x64xf32>
    tpu.vector_store %arg8[%swap3A_419, %swap3A_420, %swap3A_421], %swap3A_424 {strides = array<i32>} : memref<16x50x64xf32, #tpu.memory_space<vmem>>, vector<1x50x64xf32>,
    return
  }
  func.func @transform_0(%arg0: i32) -> (i32, i32) {
    %c0_i32 = arith.constant 0 : i32
    %c0_i32_0 = arith.constant 0 : i32
    return %arg0, %c0_i32 : i32, i32
  }
  func.func @transform_1(%arg0: i32) -> (i32, i32) {
    %c0_i32 = arith.constant 0 : i32
    %c0_i32_0 = arith.constant 0 : i32
    return %arg0, %c0_i32 : i32, i32
  }
  func.func @transform_2(%arg0: i32) -> (i32, i32) {
    %c0_i32 = arith.constant 0 : i32
    %c0_i32_0 = arith.constant 0 : i32
    %c0_i32_1 = arith.constant 0 : i32
    return %c0_i32, %c0_i32_0 : i32, i32
  }
  func.func @transform_3(%arg0: i32) -> (i32, i32) {
    %c0_i32 = arith.constant 0 : i32
    %c0_i32_0 = arith.constant 0 : i32
    %c0_i32_1 = arith.constant 0 : i32
    return %c0_i32, %c0_i32_0 : i32, i32
  }
  func.func @transform_4(%arg0: i32) -> (i32, i32) {
    %c0_i32 = arith.constant 0 : i32
    %c0_i32_0 = arith.constant 0 : i32
    %c0_i32_1 = arith.constant 0 : i32
    return %c0_i32, %c0_i32_0 : i32, i32
  }
  func.func @transform_5(%arg0: i32) -> (i32, i32) {
    %c0_i32 = arith.constant 0 : i32
    %c0_i32_0 = arith.constant 0 : i32
    %c0_i32_1 = arith.constant 0 : i32
    return %c0_i32, %c0_i32_0 : i32, i32
  }
  func.func @transform_6(%arg0: i32) -> (i32, i32) {
    %c0_i32 = arith.constant 0 : i32
    %c0_i32_0 = arith.constant 0 : i32
    %c0_i32_1 = arith.constant 0 : i32
    return %c0_i32, %c0_i32_0 : i32, i32
  }
  func.func @transform_7(%arg0: i32) -> (i32, i32, i32) {
    %c0_i32 = arith.constant 0 : i32
    %c0_i32_0 = arith.constant 0 : i32
    %c0_i32_1 = arith.constant 0 : i32
    return %arg0, %c0_i32, %c0_i32_0 : i32, i32, i32
  }
}

</mosaic_0001>

<sc_bundles>
// kernel: kernel.4.cloned.1.call-start
scs
__scs_entry_jumppad:
0x0: {  	(pc) =	sbr.rel $0x88, $3  }
0x1: {  	(tag) =	ssettag $0x0;
	lr =	simm.s32 $0x1  }
0x2: {  	[smem:$0x3F95] =	sst lr;
	_ =	strace $0xD0000000  }
0x3: {  	_ = 	snop  }
0x4: {  	_ = 	snop  }
0x5: {  	_ = 	snop  }
0x6: {  	_ = 	snop  }
0x7: {  	_ = 	snop  }
__scs_overlays_trampoline_lowered:
0x8: {  	[smem:$0x3FA4] =	sst s0  }
0x9: {  	[smem:$0x3FA5] =	sst s1  }
0xa: {  	[smem:$0x3FA6] =	sst s2  }
0xb: {  	[smem:$0x3FA7] =	sst s3  }
0xc: {  	[smem:$0x3FA8] =	sst s4  }
0xd: {  	[smem:$0x3FA9] =	sst s5  }
0xe: {  	[smem:$0x3FAA] =	sst s6  }
0xf: {  	[smem:$0x3FAB] =	sst s7  }
0x10: {  	[smem:$0x3FAC] =	sst s8  }
0x11: {  	[smem:$0x3FAD] =	sst s9;
	s0 =	simm.s32 @!p0 $0x0  }
0x12: {  	s1 =	sld [smem:$0x3F93];
	s0 =	simm.s32 @p0 $0x1  }
0x13: {  	[smem:$0x3FAE] =	sst s0;
	s0 =	simm.s32 @!p1 $0x0  }
0x14: {  	s2 =	sld [smem:$0x3F92];
	s0 =	simm.s32 @p1 $0x1  }
0x15: {  	[smem:$0x3FAF] =	sst s0;
	s0 =	simm.s32 @!p2 $0x0  }
0x16: {  	s3 =	sld [smem:$0x3FDB];
	s0 =	simm.s32 @p2 $0x1  }
0x17: {  	s4 =	simm.s32 $0x1BF5;
	[smem:$0x3FB1] =	sst s0  }
0x18: {  	s0 =	sld [smem:$0x3F94];
	_ =	swait.ge [sflag:s4], $0x0  }
0x19: {  	s7 =	sld [smem:$0x3F95]  }
0x1a: {  	s8 =	sadd.s32 $0xFFFFE003, lr  }
0x1b: {  	s9 =	sadd.s32 $0xFFFFFEF7, lr;
	s5 =	simm.s32 $0xFFFFFFFF;
	p2 =	slt.u32 s8, $0xFFFFF086  }
0x1c: {  	p1 =	slt.u32 s9, $0xF7A;
	s5 =	simm.s32 @!p2 $0x0  }
0x1d: {  	s5 =	simm.s32 @p1 $0x1;
	p0 =	seq.s32 s7, s2  }
0x1e: {  	s7 =	smul.u32 @!p0 $0xF7A, s2;
	p2 =	seq.s32 @!p0 s5, $0x0  }
0x1f: {  	s9 =	smul.u32 $0xF7A, s1;
	s8 =	simm.s32 @!p0 $0x1BF5;
	p2 =	por !p2, p0  }
0x20: {  	[sflag:s8] =	ssyncset.s32 @!p0 $0xFFFFF086;
	s6 =	sadd.s32 @!p0 s3, s7;
	s7 =	simm.s32 @!p0 $0x108  }
0x21: {  	s3 =	sadd.s32 s3, s9;
	s6 =	sadd.s32 @!p0 $0x88, s6;
	s7 =	simm.s32 @p2 $0x1082  }
0x22: {  	[simem:s7], [sflag:s8] =	dma.local @!p0 [hbm:s6], $0xF7A  }
0x23: {  	s9 =	sor.u32 $0xD0000000, s2;
	s6 =	simm.s32 $0x108;
	_ =	swait.ge @!p0 [sflag:s8], $0x0  }
0x24: {  	s3 =	sadd.s32 $0x88, s3;
	s6 =	simm.s32 @!p1 $0x1082;
	[sflag:s4] =	ssyncset.s32 $0xFFFFF086  }
0x25: {  	[simem:s6], [sflag:s4] =	dma.local [hbm:s3], $0xF7A  }
0x26: {  	[smem:$0x3F95] =	sst s1;
	(tag) =	ssettag s2;
	_ =	strace s9  }
0x27: {  	s1 =	sld [smem:$0x3FA5]  }
0x28: {  	s2 =	sld [smem:$0x3FA6]  }
0x29: {  	s4 =	sld [smem:$0x3FA8]  }
0x2a: {  	p0 =	seq.s32 s5, $0x0;
	s5 =	sld [smem:$0x3FA9]  }
0x2b: {  	s6 =	sld [smem:$0x3FAA]  }
0x2c: {  	s7 =	sld [smem:$0x3FAB]  }
0x2d: {  	s3 =	simm.s32 $0x108;
	s8 =	sld [smem:$0x3FAC]  }
0x2e: {  	s3 =	simm.s32 @!p0 $0x1082;
	s9 =	sld [smem:$0x3FAD]  }
0x2f: {  	lr =	sadd.s32 s0, s3;
	s0 =	sld [smem:$0x3FA4]  }
0x30: {  	s3 =	sld [smem:$0x3FA7]  }
0x31: {  	[smem:$0x3FB0] =	sst s10  }
0x32: {  	s10 =	sld [smem:$0x3FAE];
	_ =	sdelay $0x3  }
0x33: {  	p0 =	seq.s32 s10, $0x1;
	s10 =	sld [smem:$0x3FB0];
	_ =	sdelay $0x3  }
0x34: {  	[smem:$0x3FB0] =	sst s10  }
0x35: {  	s10 =	sld [smem:$0x3FAF];
	_ =	sdelay $0x3  }
0x36: {  	p1 =	seq.s32 s10, $0x1;
	s10 =	sld [smem:$0x3FB0];
	_ =	sdelay $0x3  }
0x37: {  	[smem:$0x3FB0] =	sst s10  }
0x38: {  	s10 =	sld [smem:$0x3FB1]  }
0x39: {  	_ = 	snop;
	(pc) =	sbr.ind lr, $3  }
0x3a: {  	_ = 	snop  }
0x3b: {  	_ = 	snop  }
0x3c: {  	p2 =	seq.s32 s10, $0x1;
	s10 =	sld [smem:$0x3FB0]  }
0x3d: {  	_ =	shalt  }
0x3e: {  	_ =	shalt  }
0x3f: {  	_ =	shalt  }
0x40: {  	_ =	shalt  }
0x41: {  	_ =	shalt  }
0x42: {  	_ =	shalt  }
0x43: {  	_ =	shalt  }
0x44: {  	_ =	shalt  }
0x45: {  	_ =	shalt  }
0x46: {  	_ =	shalt  }
0x47: {  	_ =	shalt  }
0x48: {  	_ =	shalt  }
0x49: {  	_ =	shalt  }
0x4a: {  	_ =	shalt  }
0x4b: {  	_ =	shalt  }
0x4c: {  	_ =	shalt  }
0x4d: {  	_ =	shalt  }
0x4e: {  	_ =	shalt  }
0x4f: {  	_ =	shalt  }
0x50: {  	_ =	shalt  }
0x51: {  	_ =	shalt  }
0x52: {  	_ =	shalt  }
0x53: {  	_ =	shalt  }
0x54: {  	_ =	shalt  }
0x55: {  	_ =	shalt  }
0x56: {  	_ =	shalt  }
0x57: {  	_ =	shalt  }
0x58: {  	_ =	shalt  }
0x59: {  	_ =	shalt  }
0x5a: {  	_ =	shalt  }
0x5b: {  	_ =	shalt  }
0x5c: {  	_ =	shalt  }
0x5d: {  	_ =	shalt  }
0x5e: {  	_ =	shalt  }
0x5f: {  	_ =	shalt  }
0x60: {  	_ =	shalt  }
0x61: {  	_ =	shalt  }
0x62: {  	_ =	shalt  }
0x63: {  	_ =	shalt  }
0x64: {  	_ =	shalt  }
0x65: {  	_ =	shalt  }
0x66: {  	_ =	shalt  }
0x67: {  	_ =	shalt  }
0x68: {  	_ =	shalt  }
0x69: {  	_ =	shalt  }
0x6a: {  	_ =	shalt  }
0x6b: {  	_ =	shalt  }
0x6c: {  	_ =	shalt  }
0x6d: {  	_ =	shalt  }
0x6e: {  	_ =	shalt  }
0x6f: {  	_ =	shalt  }
0x70: {  	_ =	shalt  }
0x71: {  	_ =	shalt  }
0x72: {  	_ =	shalt  }
0x73: {  	_ =	shalt  }
0x74: {  	_ =	shalt  }
0x75: {  	_ =	shalt  }
0x76: {  	_ =	shalt  }
0x77: {  	_ =	shalt  }
0x78: {  	_ =	shalt  }
0x79: {  	_ =	shalt  }
0x7a: {  	_ =	shalt  }
0x7b: {  	_ =	shalt  }
0x7c: {  	_ =	shalt  }
0x7d: {  	_ =	shalt  }
0x7e: {  	_ =	shalt  }
0x7f: {  	_ =	shalt  }
0x80: {  	_ =	shalt  }
0x81: {  	_ =	shalt  }
0x82: {  	_ =	shalt  }
0x83: {  	_ =	shalt  }
0x84: {  	_ =	shalt  }
0x85: {  	_ =	shalt  }
0x86: {  	_ =	shalt  }
0x87: {  	_ =	shalt  }
.Lfunc_end0:
.L_simem_size_0:
called_computation_lowered:
.L_overlay_start_0:
0x88: {  	s2 =	sld [smem:$0x3FD9]  }
0x89: {  	s3 =	sld [smem:$0x3FFE];
	_ =	sdelay $0x1  }
0x8a: {  	s1 =	srdreg.scid  }
0x8b: {  	s0 =	sand.u32 $0x1, s1  }
0x8c: {  	s17 =	sshll.u32 s0, $0xA;
	s2 =	sadd.s32 s3, s2  }
0x8d: {  	s2 =	sadd.s32 s2, s17  }
0x8e: {  	[smem:$0x3FBC] =	sst s2  }
0x8f: {  	_ = 	snop  }
0x90: {  	s2 =	sld [smem:$0x3FD0];
	(tm) =	ssettm $0x1  }
0x91: {  	s18 =	sld [smem:$0x3FFB];
	_ =	sdelay $0x3  }
0x92: {  	_ =	strace s18  }
0x93: {  	s3 =	sld [smem:$0x3FFC];
	_ =	sdelay $0x3  }
0x94: {  	_ =	strace s3  }
0x95: {  	s3 =	sld [smem:$0x3FFD];
	_ =	sdelay $0x3  }
0x96: {  	_ =	strace s3  }
0x97: {  	_ =	strace $0x8FFFFFFF  }
0x98: {  	s19 =	sld [smem:$0x3FDB];
	_ =	sdelay $0x1  }
0x99: {  	s4 =	simm.s32 $_scs_section_size  }
0x9a: {  	s5 =	simm.s32 $_size__tile_overlayer_lowered;
	s6 =	simm.s32 $_tile_overlayer_lowered  }
0x9b: {  	s22 =	simm.s32 $0x1BFF;
	s21 =	sshll.u32 s6, $0x1;
	s3 =	sadd.s32 s4, s19  }
0x9c: {  	s7 =	simm.s32 $0x0;
	s20 =	sshll.u32 s5, $0x1;
	s5 =	sadd.s32 s21, s3  }
0x9d: {  	[timem:s7], [sflag:s22] =	dma.local [hbm:s5], s20  }
0x9e: {  	_ =	swait.ge [sflag:s22], s20  }
0x9f: {  	s4 =	ssub.s32 $0x0, s20;
	[sflag:s22] =	ssyncset.done $0x0  }
0xa0: {  	[sflag:s22] =	ssyncadd.s32 s4;
	_ =	sdelay $0x1  }
0xa1: {  	s23 =	simm.s32 $0x1B8B  }
0xa2: {  	_ =	swait.ge [sflag:s23], $0x1  }
0xa3: {  	[sflag:s23] =	ssyncset.done $0x0  }
0xa4: {  	s25 =	simm.s32 $0x1B8E;
	s24 =	sld [smem:$0x3FFE];
	[sflag:s23] =	ssyncadd.s32 $0xFFFFFFFF  }
0xa5: {  	s26 =	simm.s32 $execute0_lowered;
	[smem:$0x3FD2] =	sst s25  }
0xa6: {  	s5 =	sshll.u32 s26, $0x1;
	_ =	strace $0x80000046;
	[dreg:$0x1] =	wrdreg $0xFFFFFFFF  }
0xa7: {  	s28 =	simm.s32 $_size_execute0_lowered;
	s3 =	sadd.s32 s3, s5;
	[dreg:$0x0] =	wrdreg $0x0  }
0xa8: {  	s5 =	sshll.u32 s28, $0x1;
	[dreg:$0x2] =	wrdreg s3  }
0xa9: {  	[dreg:$0x3] =	wrdreg s5  }
0xaa: {  	[dreg:$0x4] =	wrdreg $0xC0  }
0xab: {  	_ =	task [dreg:s7], $0x5FFFF  }
0xac: {  	[dreg:$0x1] =	wrdreg $0xFFFFFFFF  }
0xad: {  	[dreg:$0x0] =	wrdreg $0x60  }
0xae: {  	[dreg:$0x2] =	wrdreg s2  }
0xaf: {  	[dreg:$0x3] =	wrdreg s24  }
0xb0: {  	[dreg:$0x4] =	wrdreg $0x9  }
0xb1: {  	_ =	task.clear_ibuf [dreg:s7], $0x5FFFF;
	_ =	strace $0x90000046  }
0xb2: {  	s29 =	simm.s32 $0x9;
	_ =	strace $0x80000048  }
0xb3: {  	_ =	swait.ge [sflag:s29], $0x1  }
0xb4: {  	[sflag:s29] =	ssyncadd.s32 $0xFFFFFFFF  }
0xb5: {  	_ =	strace $0x90000048  }
0xb6: {  	_ =	sfence  }
0xb7: {  	s30 =	sld [smem:$0x0];
	_ =	sdelay $0x2  }
0xb8: {  	s31 =	sshll.u32 s1, $0xD;
	s1 =	sshrl.u32 s1, $0x2  }
0xb9: {  	s3 =	sand.u32 $0x4000, s31;
	s1 =	sadd.s32 s1, s30  }
0xba: {  	s0 =	sor.u32 s3, s0;
	s1 =	sshll.u32 s1, $0x11  }
0xbb: {  	s0 =	sor.u32 s1, s0  }
0xbc: {  	s0 =	sadd.s32 $0x8F2B, s0  }
0xbd: {  	[sflag:s0] =	ssyncadd.remote.s32 $0x1  }
0xbe: {  	_ =	sfence.sel $0xFFFF  }
0xbf: {  	[dreg:$0x0] =	wrdreg $0xFFFFFFFF;
	(pc) =	sbr.abs _section_cstart, $3  }
0xc0: {  	[dreg:$0x1] =	wrdreg $0xFFFFFFFF  }
0xc1: {  	_ =	task.clear_ibuf [dreg:s7], $0x2FFFF;
	_ =	strace $0x9FFFFFFF  }
0xc2: {  	(tm) =	ssettm $0x7FFFFFFF  }
0xc3: {  	_ =	shalt  }
tec
execute0_lowered:
.L_overlay_start_1:
0x0: {  	(tag) =	ssettag $0x1  }
0x1: {  	v0 =	vimm.s32 $0x15E1;
	vm0 =	vcmask $0x300  }
0x2: {  	vm14 =	vcmask $0x704;
	v0 =	vsel vm0, $0x0, v0  }
0x3: {  	vm15 =	vcmask $0xB08;
	v0 =	vsel vm14, $0x320, v0  }
0x4: {  	vm4 =	vcmask $0xF0C;
	v0 =	vsel vm15, $0x640, v0  }
0x5: {  	vm5 =	vcmask $0x1310;
	v0 =	vsel vm4, $0x960, v0  }
0x6: {  	vm6 =	vcmask $0x1714;
	v0 =	vsel vm5, $0xC80, v0  }
0x7: {  	vm7 =	vcmask $0x1B18;
	v0 =	vsel vm6, $0xFA0, v0  }
0x8: {  	vm8 =	vcmask $0x1F1C;
	v0 =	vsel vm7, $0x12C0, v0  }
0x9: {  	vm9 =	vcmask $0x2320;
	v0 =	vsel vm8, $0x15E0, v0  }
0xa: {  	vm10 =	vcmask $0x2724;
	v0 =	vsel vm9, $0x1, v0  }
0xb: {  	vm11 =	vcmask $0x2B28;
	vm12 =	vcmask $0x2F2C;
	v0 =	vsel vm10, $0x321, v0  }
0xc: {  	vm13 =	vcmask $0x3330;
	vm14 =	vcmask $0x3734;
	v1 =	vsel vm11, $0x641, v0  }
0xd: {  	vm15 =	vcmask $0x3B38;
	v0 =	vlaneseq.u32;
	v1 =	vsel vm12, $0x961, v1  }
0xe: {  	v4 =	vor.u32 $0x10, v0;
	v6 =	vor.u32 $0x20, v0;
	v8 =	vor.u32 $0x30, v0  }
0xf: {  	v10 =	vor.u32 $0x40, v0;
	v12 =	vor.u32 $0x50, v0;
	v14 =	vor.u32 $0x60, v0  }
0x10: {  	s0 =	rddreg [dreg:$0x0];
	v16 =	vor.u32 $0x70, v0;
	v18 =	vor.u32 $0x80, v0;
	v20 =	vor.u32 $0x90, v0  }
0x11: {  	s6 =	rddreg [dreg:$0x1];
	v39 =	vand.u32 $0x7, v0;
	v22 =	vor.u32 $0xA0, v0;
	v25 =	vor.u32 $0xB0, v0  }
0x12: {  	s1 =	rddreg [dreg:$0x2];
	v27 =	vor.u32 $0xC0, v0;
	v29 =	vor.u32 $0xD0, v0;
	v31 =	vor.u32 $0xE0, v0  }
0x13: {  	s2 =	simm.s32 $0x0;
	s4 =	srdreg.scid;
	s11 =	simm.s32 $0x3;
	v33 =	vor.u32 $0xF0, v0;
	v35 =	vor.u32 $0x100, v0;
	v37 =	vor.u32 $0x110, v0  }
0x14: {  	s12 =	simm.s32 $0x3CF0;
	s13 =	simm.s32 $0x55F0;
	s14 =	simm.s32 $0x1900;
	v38 =	vor.u32 $0x120, v0;
	v2 =	vsel vm13, $0xC81, v1;
	v1 =	vshrl.u32 v0, $0x3  }
0x15: {  	s15 =	simm.s32 $0x6EF0;
	s16 =	simm.s32 $0x136F0;
	s17 =	simm.s32 $0x1;
	v24 =	vmul.u32 $0x1900, v39;
	v39 =	vor.u32 $0x130, v39;
	v3 =	vsel vm14, $0xFA1, v2  }
0x16: {  	s18 =	simm.s32 $0x2;
	s19 =	simm.s32 $0x0;
	[smem:$0x7FF] =	sst s2;
	v2 =	vmul.u32 $0x3E8, v1;
	v32 =	vor.u32 $0x2, v1;
	v34 =	vor.u32 $0x4, v1  }
0x17: {  	s3 =	sadd.s32 $0x2200, s6;
	s7 =	sand.u32 $0x1, s4;
	s5 =	sadd.s32 $0x8800, s6;
	v36 =	vor.u32 $0x6, v1;
	v3 =	vsel vm15, $0x12C1, v3;
	v30 =	vor.u32 $0x8, v24  }
0x18: {  	s4 =	stileid.u32;
	s6 =	sadd.s32 $0x328800, s6;
	s8 =	ssub.s32 $0x2, s7;
	v5 =	vadd.s32 $0x7D0, v2;
	v7 =	vadd.s32 $0xFA0, v2;
	v9 =	vadd.s32 $0x1770, v2  }
0x19: {  	s10 =	sshll.u32 s4, $0x8;
	s7 =	sshll.u32 s7, $0x7;
	s9 =	sshrl.u32 s8, $0x1;
	v11 =	vadd.s32 $0x1F40, v2;
	v13 =	vadd.s32 $0x2710, v2;
	v15 =	vadd.s32 $0x2EE0, v2  }
0x1a: {  	_ =	strace $0x80000047;
	s7 =	sor.u32 s7, s10;
	s8 =	ssub.s32 s8, s9;
	v17 =	vadd.s32 $0x36B0, v2;
	v19 =	vadd.s32 $0x3E80, v2;
	v21 =	vadd.s32 $0x4650, v2  }
0x1b: {  	s10 =	simm.s32 $0x1000;
	s9 =	simm.s32 $0x8;
	s8 =	smax.u32 s8, $0x1;
	v23 =	vadd.s32 $0x4E20, v2;
	v26 =	vadd.s32 $0x55F0, v2;
	v28 =	vadd.s32 $0x5DC0, v2  }
.LBB2_1:
0x1c: {  	s20 =	simm.s32 $0x0  }
.LBB2_2:
0x1d: {  	s22 =	simm.s32 $0x0  }
0x1e: {  	v40 =	vmov s22  }
0x1f: {  	v40 =	vmul.u32 $0x138, v40  }
0x20: {  	s21 =	sshll.u32 s20, $0x3  }
0x21: {  	s21 =	sadd.s32 s7, s21;
	v40 =	vbroadcast v40, $0x0  }
0x22: {  	s23 =	sshrl.u32 s21, $0x3  }
0x23: {  	s23 =	sadd.s32 s0, s23;
	v41 =	vadd.s32 v0, v40  }
0x24: {  	[tilespmem:s22], [sflag:$0x3] =	stream.strided.gather [hbm4b:s23+s9], $0x3CF0, s10, s9, $0x38;
	[tilespmem:$0x1FEF0] =	vst v63  }
0x25: {  	_ =	swait.ge [sflag:s11], $0x3CF0  }
0x26: {  	[sflag:s11] =	ssyncset.done $0x0  }
0x27: {  	[sflag:s11] =	ssyncadd.s32 $0xFFFFC310  }
0x28: {  	v41 =	vld.idx.msk [tilespmem:v41+s2+$0x0], $0xffff  }
0x29: {  	s23 =	simm.s32 $0x0  }
0x2a: {  	v42 =	vadd.s32 s23, v3  }
0x2b: {  	v42 =	vand.u32 $0x3FF0, v42  }
0x2c: {  	v42 =	vor.u32 v1, v42  }
0x2d: {  	v43 =	vadd.s32 v4, v40;
	v41 =	vtrunc.f32 v41  }
0x2e: {  	v41 =	vcvt.f32.s32 v41;
	_ =	sdelay $0x1  }
0x2f: {  	v41 =	vadd.s32 v2, v41  }
0x30: {  	[tilespmem:v42+s12+$0x0] =	vst.idx.msk $0xffff, v41  }
0x31: {  	v41 =	vld.idx.msk [tilespmem:v43+s2+$0x0], $0xffff;
	_ =	sdelay $0x2  }
0x32: {  	s24 =	simm.s32 $0x2  }
0x33: {  	v52 =	vadd.s32 s24, v3  }
0x34: {  	v44 =	vadd.s32 v6, v40;
	v41 =	vtrunc.f32 v41  }
0x35: {  	v41 =	vcvt.f32.s32 v41;
	_ =	sdelay $0x1  }
0x36: {  	v41 =	vadd.s32 v5, v41  }
0x37: {  	[tilespmem:v52+s12+$0x0] =	vst.idx.msk $0xffff, v41  }
0x38: {  	v41 =	vld.idx.msk [tilespmem:v44+s2+$0x0], $0xffff;
	_ =	sdelay $0x2  }
0x39: {  	s25 =	simm.s32 $0x4  }
0x3a: {  	v53 =	vadd.s32 s25, v3  }
0x3b: {  	v45 =	vadd.s32 v8, v40;
	v41 =	vtrunc.f32 v41  }
0x3c: {  	v41 =	vcvt.f32.s32 v41;
	_ =	sdelay $0x1  }
0x3d: {  	v41 =	vadd.s32 v7, v41  }
0x3e: {  	[tilespmem:v53+s12+$0x0] =	vst.idx.msk $0xffff, v41  }
0x3f: {  	v41 =	vld.idx.msk [tilespmem:v45+s2+$0x0], $0xffff;
	_ =	sdelay $0x2  }
0x40: {  	s26 =	simm.s32 $0x6  }
0x41: {  	v54 =	vadd.s32 s26, v3  }
0x42: {  	v46 =	vadd.s32 v10, v40;
	v41 =	vtrunc.f32 v41  }
0x43: {  	v41 =	vcvt.f32.s32 v41;
	_ =	sdelay $0x1  }
0x44: {  	v41 =	vadd.s32 v9, v41  }
0x45: {  	[tilespmem:v54+s12+$0x0] =	vst.idx.msk $0xffff, v41  }
0x46: {  	v41 =	vld.idx.msk [tilespmem:v46+s2+$0x0], $0xffff  }
0x47: {  	s28 =	simm.s32 $0x8  }
0x48: {  	v55 =	vadd.s32 s28, v3  }
0x49: {  	v46 =	vand.u32 $0x3FF8, v55  }
0x4a: {  	v47 =	vor.u32 v1, v46  }
0x4b: {  	v56 =	vadd.s32 v12, v40;
	v41 =	vtrunc.f32 v41  }
0x4c: {  	v41 =	vcvt.f32.s32 v41;
	_ =	sdelay $0x1  }
0x4d: {  	v41 =	vadd.s32 v11, v41  }
0x4e: {  	[tilespmem:v47+s12+$0x0] =	vst.idx.msk $0xffff, v41  }
0x4f: {  	v41 =	vld.idx.msk [tilespmem:v56+s2+$0x0], $0xffff;
	_ =	sdelay $0x2  }
0x50: {  	s29 =	simm.s32 $0xA  }
0x51: {  	v48 =	vadd.s32 s29, v3  }
0x52: {  	v57 =	vadd.s32 v14, v40;
	v41 =	vtrunc.f32 v41  }
0x53: {  	v41 =	vcvt.f32.s32 v41;
	_ =	sdelay $0x1  }
0x54: {  	v41 =	vadd.s32 v13, v41  }
0x55: {  	[tilespmem:v48+s12+$0x0] =	vst.idx.msk $0xffff, v41  }
0x56: {  	v41 =	vld.idx.msk [tilespmem:v57+s2+$0x0], $0xffff;
	_ =	sdelay $0x2  }
0x57: {  	s30 =	simm.s32 $0xC  }
0x58: {  	v49 =	vadd.s32 s30, v3  }
0x59: {  	v58 =	vadd.s32 v16, v40;
	v41 =	vtrunc.f32 v41  }
0x5a: {  	v41 =	vcvt.f32.s32 v41;
	_ =	sdelay $0x1  }
0x5b: {  	v41 =	vadd.s32 v15, v41  }
0x5c: {  	[tilespmem:v49+s12+$0x0] =	vst.idx.msk $0xffff, v41  }
0x5d: {  	v41 =	vld.idx.msk [tilespmem:v58+s2+$0x0], $0xffff;
	_ =	sdelay $0x2  }
0x5e: {  	s31 =	simm.s32 $0xE  }
0x5f: {  	v46 =	vadd.s32 s31, v3  }
0x60: {  	v50 =	vadd.s32 v18, v40;
	v41 =	vtrunc.f32 v41  }
0x61: {  	v41 =	vcvt.f32.s32 v41;
	_ =	sdelay $0x1  }
0x62: {  	v41 =	vadd.s32 v17, v41  }
0x63: {  	[tilespmem:v46+s12+$0x0] =	vst.idx.msk $0xffff, v41  }
0x64: {  	v41 =	vld.idx.msk [tilespmem:v50+s2+$0x0], $0xffff;
	_ =	sdelay $0x4  }
0x65: {  	v59 =	vadd.s32 v20, v40;
	v41 =	vtrunc.f32 v41  }
0x66: {  	v41 =	vcvt.f32.s32 v41;
	_ =	sdelay $0x1  }
0x67: {  	v41 =	vadd.s32 v19, v41  }
0x68: {  	[tilespmem:v42+s13+$0x0] =	vst.idx.msk $0xffff, v41  }
0x69: {  	v41 =	vld.idx.msk [tilespmem:v59+s2+$0x0], $0xffff;
	_ =	sdelay $0x4  }
0x6a: {  	v60 =	vadd.s32 v22, v40;
	v41 =	vtrunc.f32 v41  }
0x6b: {  	v41 =	vcvt.f32.s32 v41;
	_ =	sdelay $0x1  }
0x6c: {  	v41 =	vadd.s32 v21, v41  }
0x6d: {  	[tilespmem:v52+s13+$0x0] =	vst.idx.msk $0xffff, v41  }
0x6e: {  	v41 =	vld.idx.msk [tilespmem:v60+s2+$0x0], $0xffff;
	_ =	sdelay $0x4  }
0x6f: {  	v61 =	vadd.s32 v25, v40;
	v41 =	vtrunc.f32 v41  }
0x70: {  	v41 =	vcvt.f32.s32 v41;
	_ =	sdelay $0x1  }
0x71: {  	v41 =	vadd.s32 v23, v41  }
0x72: {  	[tilespmem:v53+s13+$0x0] =	vst.idx.msk $0xffff, v41  }
0x73: {  	v41 =	vld.idx.msk [tilespmem:v61+s2+$0x0], $0xffff;
	_ =	sdelay $0x4  }
0x74: {  	v40 =	vadd.s32 v27, v40;
	v41 =	vtrunc.f32 v41  }
0x75: {  	v41 =	vcvt.f32.s32 v41;
	_ =	sdelay $0x1  }
0x76: {  	v41 =	vadd.s32 v26, v41  }
0x77: {  	[tilespmem:v54+s13+$0x0] =	vst.idx.msk $0xffff, v41  }
0x78: {  	v40 =	vld.idx.msk [tilespmem:v40+s2+$0x0], $0xffff;
	_ =	sdelay $0x3  }
0x79: {  	s23 =	simm.s32 $0x1  }
0x7a: {  	v62 =	vmov s23;
	v40 =	vtrunc.f32 v40  }
0x7b: {  	v41 =	vmul.u32 $0x138, v62;
	v40 =	vcvt.f32.s32 v40;
	_ =	sdelay $0x1  }
0x7c: {  	v63 =	vadd.s32 v28, v40;
	v40 =	vbroadcast v41, $0x0;
	_ =	sdelay $0x1  }
0x7d: {  	v41 =	vadd.s32 v0, v40  }
0x7e: {  	[tilespmem:v47+s13+$0x0] =	vst.idx.msk $0xffff, v63  }
0x7f: {  	[tilespmem:v48+s13+$0x0] =	vst.idx.msk $0xffff, v48  }
0x80: {  	s24 =	simm.s32 $0x2E;
	s22 =	simm.s32 $0x1E;
	[tilespmem:v49+s13+$0x0] =	vst.idx.msk $0xffff, v49  }
.LBB2_3:
0x81: {  	p0 =	sne.s32 s24, $0x31E;
	[tilespmem:v46+s13+$0x0] =	vst.idx.msk $0xffff, v46;
	s25 =	smov.u32 s24;
	s24 =	sadd.s32 $0x10, s24  }
0x82: {  	v42 =	vld.idx.msk [tilespmem:v41+s2+$0x0], $0xffff;
	_ =	sdelay $0x1  }
0x83: {  	s26 =	sadd.s32 $0xFFFFFFF2, s22  }
0x84: {  	v41 =	vadd.s32 s26, v3  }
0x85: {  	v41 =	vand.u32 $0x3FF0, v41  }
0x86: {  	v41 =	vor.u32 v1, v41  }
0x87: {  	v43 =	vadd.s32 v4, v40;
	v42 =	vtrunc.f32 v42  }
0x88: {  	v42 =	vcvt.f32.s32 v42;
	_ =	sdelay $0x1  }
0x89: {  	v42 =	vadd.s32 v2, v42  }
0x8a: {  	[tilespmem:v41+s12+$0x0] =	vst.idx.msk $0xffff, v42  }
0x8b: {  	v43 =	vld.idx.msk [tilespmem:v43+s2+$0x0], $0xffff;
	_ =	sdelay $0x3  }
0x8c: {  	s26 =	sadd.s32 $0xFFFFFFF4, s22  }
0x8d: {  	v42 =	vadd.s32 s26, v3  }
0x8e: {  	v44 =	vadd.s32 v6, v40;
	v43 =	vtrunc.f32 v43  }
0x8f: {  	v43 =	vcvt.f32.s32 v43;
	_ =	sdelay $0x1  }
0x90: {  	v43 =	vadd.s32 v5, v43  }
0x91: {  	[tilespmem:v42+s12+$0x0] =	vst.idx.msk $0xffff, v43  }
0x92: {  	v44 =	vld.idx.msk [tilespmem:v44+s2+$0x0], $0xffff;
	_ =	sdelay $0x3  }
0x93: {  	s26 =	sadd.s32 $0xFFFFFFF6, s22  }
0x94: {  	v43 =	vadd.s32 s26, v3  }
0x95: {  	v45 =	vadd.s32 v8, v40;
	v44 =	vtrunc.f32 v44  }
0x96: {  	v44 =	vcvt.f32.s32 v44;
	_ =	sdelay $0x1  }
0x97: {  	v44 =	vadd.s32 v7, v44  }
0x98: {  	[tilespmem:v43+s12+$0x0] =	vst.idx.msk $0xffff, v44  }
0x99: {  	v45 =	vld.idx.msk [tilespmem:v45+s2+$0x0], $0xffff;
	_ =	sdelay $0x3  }
0x9a: {  	s26 =	sadd.s32 $0xFFFFFFF8, s22  }
0x9b: {  	v44 =	vadd.s32 s26, v3  }
0x9c: {  	v46 =	vadd.s32 v10, v40;
	v45 =	vtrunc.f32 v45  }
0x9d: {  	v45 =	vcvt.f32.s32 v45;
	_ =	sdelay $0x1  }
0x9e: {  	v45 =	vadd.s32 v9, v45  }
0x9f: {  	[tilespmem:v44+s12+$0x0] =	vst.idx.msk $0xffff, v45  }
0xa0: {  	v46 =	vld.idx.msk [tilespmem:v46+s2+$0x0], $0xffff;
	_ =	sdelay $0x1  }
0xa1: {  	s26 =	sadd.s32 $0xFFFFFFFA, s22  }
0xa2: {  	v45 =	vadd.s32 s26, v3  }
0xa3: {  	v45 =	vand.u32 $0x3FF8, v45  }
0xa4: {  	v45 =	vor.u32 v1, v45  }
0xa5: {  	v47 =	vadd.s32 v12, v40;
	v46 =	vtrunc.f32 v46  }
0xa6: {  	v46 =	vcvt.f32.s32 v46;
	_ =	sdelay $0x1  }
0xa7: {  	v46 =	vadd.s32 v11, v46  }
0xa8: {  	[tilespmem:v45+s12+$0x0] =	vst.idx.msk $0xffff, v46  }
0xa9: {  	v46 =	vld.idx.msk [tilespmem:v47+s2+$0x0], $0xffff;
	_ =	sdelay $0x3  }
0xaa: {  	s26 =	sadd.s32 $0xFFFFFFFC, s22  }
0xab: {  	v47 =	vadd.s32 s26, v3  }
0xac: {  	v48 =	vadd.s32 v14, v40;
	v46 =	vtrunc.f32 v46  }
0xad: {  	v46 =	vcvt.f32.s32 v46;
	_ =	sdelay $0x1  }
0xae: {  	v46 =	vadd.s32 v13, v46  }
0xaf: {  	[tilespmem:v47+s12+$0x0] =	vst.idx.msk $0xffff, v46  }
0xb0: {  	v46 =	vld.idx.msk [tilespmem:v48+s2+$0x0], $0xffff;
	_ =	sdelay $0x3  }
0xb1: {  	s26 =	sadd.s32 $0xFFFFFFFE, s22  }
0xb2: {  	v48 =	vadd.s32 s26, v3  }
0xb3: {  	v49 =	vadd.s32 v16, v40;
	v46 =	vtrunc.f32 v46  }
0xb4: {  	v46 =	vcvt.f32.s32 v46;
	_ =	sdelay $0x1  }
0xb5: {  	v46 =	vadd.s32 v15, v46  }
0xb6: {  	[tilespmem:v48+s12+$0x0] =	vst.idx.msk $0xffff, v46  }
0xb7: {  	v49 =	vld.idx.msk [tilespmem:v49+s2+$0x0], $0xffff;
	_ =	sdelay $0x4  }
0xb8: {  	v46 =	vadd.s32 s22, v3;
	s22 =	smov.u32 s25  }
0xb9: {  	v50 =	vadd.s32 v18, v40;
	v49 =	vtrunc.f32 v49  }
0xba: {  	v49 =	vcvt.f32.s32 v49;
	_ =	sdelay $0x1  }
0xbb: {  	v49 =	vadd.s32 v17, v49  }
0xbc: {  	[tilespmem:v46+s12+$0x0] =	vst.idx.msk $0xffff, v49  }
0xbd: {  	v49 =	vld.idx.msk [tilespmem:v50+s2+$0x0], $0xffff;
	_ =	sdelay $0x5  }
0xbe: {  	v50 =	vadd.s32 v20, v40;
	v49 =	vtrunc.f32 v49  }
0xbf: {  	v49 =	vcvt.f32.s32 v49;
	_ =	sdelay $0x1  }
0xc0: {  	v49 =	vadd.s32 v19, v49  }
0xc1: {  	[tilespmem:v41+s13+$0x0] =	vst.idx.msk $0xffff, v49  }
0xc2: {  	v41 =	vld.idx.msk [tilespmem:v50+s2+$0x0], $0xffff;
	_ =	sdelay $0x5  }
0xc3: {  	v49 =	vadd.s32 v22, v40;
	v41 =	vtrunc.f32 v41  }
0xc4: {  	v41 =	vcvt.f32.s32 v41;
	_ =	sdelay $0x1  }
0xc5: {  	v41 =	vadd.s32 v21, v41  }
0xc6: {  	[tilespmem:v42+s13+$0x0] =	vst.idx.msk $0xffff, v41  }
0xc7: {  	v41 =	vld.idx.msk [tilespmem:v49+s2+$0x0], $0xffff;
	_ =	sdelay $0x5  }
0xc8: {  	v42 =	vadd.s32 v25, v40;
	v41 =	vtrunc.f32 v41  }
0xc9: {  	v41 =	vcvt.f32.s32 v41;
	_ =	sdelay $0x1  }
0xca: {  	v41 =	vadd.s32 v23, v41  }
0xcb: {  	[tilespmem:v43+s13+$0x0] =	vst.idx.msk $0xffff, v41  }
0xcc: {  	v41 =	vld.idx.msk [tilespmem:v42+s2+$0x0], $0xffff;
	_ =	sdelay $0x5  }
0xcd: {  	v40 =	vadd.s32 v27, v40;
	v41 =	vtrunc.f32 v41  }
0xce: {  	v41 =	vcvt.f32.s32 v41;
	_ =	sdelay $0x1  }
0xcf: {  	v41 =	vadd.s32 v26, v41  }
0xd0: {  	[tilespmem:v44+s13+$0x0] =	vst.idx.msk $0xffff, v41  }
0xd1: {  	v40 =	vld.idx.msk [tilespmem:v40+s2+$0x0], $0xffff;
	_ =	sdelay $0x2  }
0xd2: {  	s23 =	sadd.s32 $0x1, s23  }
0xd3: {  	v41 =	vmov s23  }
0xd4: {  	v41 =	vmul.u32 $0x138, v41  }
0xd5: {  	v42 =	vtrunc.f32 v40  }
0xd6: {  	v40 =	vbroadcast v41, $0x0;
	v42 =	vcvt.f32.s32 v42  }
.Ltmp0:
0xd7: {  	(pc) =	sbr.rel @p0 .LBB2_3-.Ltmp0, $4  }
0xd8: {  	v41 =	vadd.s32 v0, v40;
	v42 =	vadd.s32 v28, v42  }
0xd9: {  	[tilespmem:v45+s13+$0x0] =	vst.idx.msk $0xffff, v42  }
0xda: {  	[tilespmem:v47+s13+$0x0] =	vst.idx.msk $0xffff, v47  }
0xdb: {  	[tilespmem:v48+s13+$0x0] =	vst.idx.msk $0xffff, v48  }
0xdc: {  	_ =	sdelay $0x3  }
0xdd: {  	[tilespmem:v46+s13+$0x0] =	vst.idx.msk $0xffff, v46  }
0xde: {  	v41 =	vld.idx.msk [tilespmem:v41+s2+$0x0], $0xffff  }
0xdf: {  	s23 =	sadd.s32 $0xFFFFFFF2, s22  }
0xe0: {  	v42 =	vadd.s32 s23, v3  }
0xe1: {  	v42 =	vand.u32 $0x3FF0, v42  }
0xe2: {  	v42 =	vor.u32 v1, v42  }
0xe3: {  	v43 =	vadd.s32 v4, v40;
	v41 =	vtrunc.f32 v41  }
0xe4: {  	v41 =	vcvt.f32.s32 v41;
	_ =	sdelay $0x1  }
0xe5: {  	v41 =	vadd.s32 v2, v41  }
0xe6: {  	[tilespmem:v42+s12+$0x0] =	vst.idx.msk $0xffff, v41  }
0xe7: {  	v41 =	vld.idx.msk [tilespmem:v43+s2+$0x0], $0xffff;
	_ =	sdelay $0x2  }
0xe8: {  	s30 =	sadd.s32 $0xFFFFFFF4, s22  }
0xe9: {  	v53 =	vadd.s32 s30, v3  }
0xea: {  	v44 =	vadd.s32 v6, v40;
	v41 =	vtrunc.f32 v41  }
0xeb: {  	v41 =	vcvt.f32.s32 v41;
	_ =	sdelay $0x1  }
0xec: {  	v41 =	vadd.s32 v5, v41  }
0xed: {  	[tilespmem:v53+s12+$0x0] =	vst.idx.msk $0xffff, v41  }
0xee: {  	v41 =	vld.idx.msk [tilespmem:v44+s2+$0x0], $0xffff;
	_ =	sdelay $0x2  }
0xef: {  	s31 =	sadd.s32 $0xFFFFFFF6, s22  }
0xf0: {  	v54 =	vadd.s32 s31, v3  }
0xf1: {  	v45 =	vadd.s32 v8, v40;
	v41 =	vtrunc.f32 v41  }
0xf2: {  	v41 =	vcvt.f32.s32 v41;
	_ =	sdelay $0x1  }
0xf3: {  	v41 =	vadd.s32 v7, v41  }
0xf4: {  	[tilespmem:v54+s12+$0x0] =	vst.idx.msk $0xffff, v41  }
0xf5: {  	v41 =	vld.idx.msk [tilespmem:v45+s2+$0x0], $0xffff;
	_ =	sdelay $0x2  }
0xf6: {  	s24 =	sadd.s32 $0xFFFFFFF8, s22  }
0xf7: {  	v55 =	vadd.s32 s24, v3  }
0xf8: {  	v56 =	vadd.s32 v10, v40;
	v41 =	vtrunc.f32 v41  }
0xf9: {  	v41 =	vcvt.f32.s32 v41;
	_ =	sdelay $0x1  }
0xfa: {  	v41 =	vadd.s32 v9, v41  }
0xfb: {  	[tilespmem:v55+s12+$0x0] =	vst.idx.msk $0xffff, v41  }
0xfc: {  	v41 =	vld.idx.msk [tilespmem:v56+s2+$0x0], $0xffff  }
0xfd: {  	s25 =	sadd.s32 $0xFFFFFFFA, s22  }
0xfe: {  	v57 =	vadd.s32 s25, v3  }
0xff: {  	v46 =	vand.u32 $0x3FF8, v57  }
0x100: {  	v46 =	vor.u32 v1, v46  }
0x101: {  	v47 =	vadd.s32 v12, v40;
	v41 =	vtrunc.f32 v41  }
0x102: {  	v41 =	vcvt.f32.s32 v41;
	_ =	sdelay $0x1  }
0x103: {  	v41 =	vadd.s32 v11, v41  }
0x104: {  	[tilespmem:v46+s12+$0x0] =	vst.idx.msk $0xffff, v41  }
0x105: {  	v41 =	vld.idx.msk [tilespmem:v47+s2+$0x0], $0xffff;
	_ =	sdelay $0x2  }
0x106: {  	s26 =	sadd.s32 $0xFFFFFFFC, s22  }
0x107: {  	v58 =	vadd.s32 s26, v3  }
0x108: {  	v48 =	vadd.s32 v14, v40;
	v41 =	vtrunc.f32 v41  }
0x109: {  	v41 =	vcvt.f32.s32 v41;
	_ =	sdelay $0x1  }
0x10a: {  	v41 =	vadd.s32 v13, v41  }
0x10b: {  	[tilespmem:v58+s12+$0x0] =	vst.idx.msk $0xffff, v41  }
0x10c: {  	v41 =	vld.idx.msk [tilespmem:v48+s2+$0x0], $0xffff;
	_ =	sdelay $0x2  }
0x10d: {  	s28 =	sadd.s32 $0xFFFFFFFE, s22  }
0x10e: {  	v59 =	vadd.s32 s28, v3  }
0x10f: {  	v49 =	vadd.s32 v16, v40;
	v41 =	vtrunc.f32 v41  }
0x110: {  	v41 =	vcvt.f32.s32 v41;
	_ =	sdelay $0x1  }
0x111: {  	v41 =	vadd.s32 v15, v41  }
0x112: {  	[tilespmem:v59+s12+$0x0] =	vst.idx.msk $0xffff, v41  }
0x113: {  	v41 =	vld.idx.msk [tilespmem:v49+s2+$0x0], $0xffff;
	_ =	sdelay $0x3  }
0x114: {  	v60 =	vadd.s32 s22, v3  }
0x115: {  	v50 =	vadd.s32 v18, v40;
	v41 =	vtrunc.f32 v41  }
0x116: {  	v41 =	vcvt.f32.s32 v41;
	_ =	sdelay $0x1  }
0x117: {  	v41 =	vadd.s32 v17, v41  }
0x118: {  	[tilespmem:v60+s12+$0x0] =	vst.idx.msk $0xffff, v41  }
0x119: {  	v41 =	vld.idx.msk [tilespmem:v50+s2+$0x0], $0xffff;
	_ =	sdelay $0x4  }
0x11a: {  	v61 =	vadd.s32 v20, v40;
	v41 =	vtrunc.f32 v41  }
0x11b: {  	v41 =	vcvt.f32.s32 v41;
	_ =	sdelay $0x1  }
0x11c: {  	v41 =	vadd.s32 v19, v41  }
0x11d: {  	[tilespmem:v42+s13+$0x0] =	vst.idx.msk $0xffff, v41  }
0x11e: {  	v41 =	vld.idx.msk [tilespmem:v61+s2+$0x0], $0xffff;
	_ =	sdelay $0x4  }
0x11f: {  	v62 =	vadd.s32 v22, v40;
	v41 =	vtrunc.f32 v41  }
0x120: {  	v41 =	vcvt.f32.s32 v41;
	_ =	sdelay $0x1  }
0x121: {  	v41 =	vadd.s32 v21, v41  }
0x122: {  	[tilespmem:v53+s13+$0x0] =	vst.idx.msk $0xffff, v41  }
0x123: {  	v41 =	vld.idx.msk [tilespmem:v62+s2+$0x0], $0xffff;
	_ =	sdelay $0x4  }
0x124: {  	v63 =	vadd.s32 v25, v40;
	v41 =	vtrunc.f32 v41  }
0x125: {  	v41 =	vcvt.f32.s32 v41;
	_ =	sdelay $0x1  }
0x126: {  	v41 =	vadd.s32 v23, v41  }
0x127: {  	[tilespmem:v54+s13+$0x0] =	vst.idx.msk $0xffff, v41  }
0x128: {  	v41 =	vld.idx.msk [tilespmem:v63+s2+$0x0], $0xffff;
	_ =	sdelay $0x4  }
0x129: {  	v44 =	vadd.s32 v27, v40;
	v41 =	vtrunc.f32 v41  }
0x12a: {  	v41 =	vcvt.f32.s32 v41;
	_ =	sdelay $0x1  }
0x12b: {  	v41 =	vadd.s32 v26, v41  }
0x12c: {  	[tilespmem:v55+s13+$0x0] =	vst.idx.msk $0xffff, v41  }
0x12d: {  	v40 =	vld.idx.msk [tilespmem:v44+s2+$0x0], $0xffff;
	_ =	sdelay $0x4  }
0x12e: {  	v40 =	vtrunc.f32 v40  }
0x12f: {  	v40 =	vcvt.f32.s32 v40;
	_ =	sdelay $0x1  }
0x130: {  	v40 =	vadd.s32 v28, v40  }
0x131: {  	[tilespmem:v46+s13+$0x0] =	vst.idx.msk $0xffff, v40  }
0x132: {  	[tilespmem:v58+s13+$0x0] =	vst.idx.msk $0xffff, v58  }
0x133: {  	[tilespmem:v59+s13+$0x0] =	vst.idx.msk $0xffff, v59  }
0x134: {  	[tilespmem:v60+s13+$0x0] =	vst.idx.msk $0xffff, v60  }
0x135: {  	[tilespmem:s15], [sflag:$0x1] =	stream.indirect.gather [hbm4b:s3+s14], $0x8, s12, s14, $0xb8;
	[tilespmem:$0x1FEF0] =	vst v63  }
0x136: {  	s29 =	simm.s32 $0x0  }
0x137: {  	[tilespmem:s16], [sflag:$0x2] =	stream.indirect.gather [hbm4b:s3+s14], $0x8, s13, s14, $0xb8;
	[tilespmem:$0x1FEF0] =	vst v63  }
0x138: {  	s21 =	smul.u32 $0x320, s21;
	v50 =	vmov s29;
	_ =	swait.ge [sflag:s17], $0xC800  }
0x139: {  	v40 =	vmul.u32 $0x138, v50;
	[sflag:s17] =	ssyncset.done $0x0  }
0x13a: {  	s30 =	sadd.s32 s5, s21;
	[sflag:s17] =	ssyncadd.s32 $0xFFFF3800  }
0x13b: {  	v51 =	vbroadcast v40, $0x0;
	[hbm4b:s30+s29] =	stream.linear.scatter [tilespmem:s15], [sflag:$0x3], $0xC800, $0x38;
	[tilespmem:$0x1FEF0] =	vst v63  }
0x13c: {  	_ =	swait.ge [sflag:s11], $0xC800  }
0x13d: {  	v40 =	vadd.s32 v29, v51;
	[sflag:s11] =	ssyncset.done $0x0  }
0x13e: {  	s31 =	simm.s32 $0xA;
	[sflag:s11] =	ssyncadd.s32 $0xFFFF3800  }
0x13f: {  	v52 =	vmov s31;
	_ =	swait.ge [sflag:s18], $0xC800  }
0x140: {  	v41 =	vshll.u32 v52, $0x3;
	[sflag:s18] =	ssyncset.done $0x0  }
0x141: {  	v53 =	vadd.s32 v24, v41;
	[sflag:s18] =	ssyncadd.s32 $0xFFFF3800  }
0x142: {  	v54 =	vor.u32 v1, v53;
	v40 =	vld.idx.msk [tilespmem:v40+s2+$0x0], $0xffff  }
0x143: {  	v55 =	vadd.s32 v31, v51;
	_ =	sdelay $0x3  }
0x144: {  	[tilespmem:v54+s16+$0x0] =	vst.idx.msk $0xffff, v40  }
0x145: {  	v56 =	vor.u32 v32, v53;
	v40 =	vld.idx.msk [tilespmem:v55+s2+$0x0], $0xffff  }
0x146: {  	v57 =	vadd.s32 v33, v51;
	_ =	sdelay $0x3  }
0x147: {  	[tilespmem:v56+s16+$0x0] =	vst.idx.msk $0xffff, v40  }
0x148: {  	v58 =	vor.u32 v34, v53;
	v40 =	vld.idx.msk [tilespmem:v57+s2+$0x0], $0xffff  }
0x149: {  	v59 =	vadd.s32 v35, v51;
	_ =	sdelay $0x3  }
0x14a: {  	[tilespmem:v58+s16+$0x0] =	vst.idx.msk $0xffff, v40  }
0x14b: {  	v43 =	vor.u32 v36, v53;
	v40 =	vld.idx.msk [tilespmem:v59+s2+$0x0], $0xffff  }
0x14c: {  	v60 =	vadd.s32 v37, v51;
	_ =	sdelay $0x3  }
0x14d: {  	[tilespmem:v43+s16+$0x0] =	vst.idx.msk $0xffff, v40;
	v40 =	vadd.s32 v30, v41  }
0x14e: {  	v61 =	vld.idx.msk [tilespmem:v60+s2+$0x0], $0xffff;
	v62 =	vor.u32 v1, v40  }
0x14f: {  	v63 =	vadd.s32 v38, v51;
	_ =	sdelay $0x3  }
0x150: {  	[tilespmem:v62+s16+$0x0] =	vst.idx.msk $0xffff, v61  }
0x151: {  	v43 =	vor.u32 v32, v40;
	v41 =	vld.idx.msk [tilespmem:v63+s2+$0x0], $0xffff  }
0x152: {  	v42 =	vadd.s32 v39, v51  }
0x153: {  	s23 =	simm.s32 $0x1  }
0x154: {  	s22 =	simm.s32 $0x1A;
	s24 =	simm.s32 $0x2A;
	v44 =	vmov s23  }
.LBB2_5:
0x155: {  	p0 =	sne.s32 s24, $0x31A;
	v44 =	vmul.u32 $0x138, v44  }
0x156: {  	[tilespmem:v43+s16+$0x0] =	vst.idx.msk $0xffff, v41  }
0x157: {  	v44 =	vbroadcast v44, $0x0;
	v41 =	vld.idx.msk [tilespmem:v42+s2+$0x0], $0xffff  }
0x158: {  	v40 =	vor.u32 v34, v40  }
0x159: {  	v42 =	vadd.s32 v29, v44;
	_ =	sdelay $0x2  }
0x15a: {  	v43 =	vmov s22;
	s22 =	smov.u32 s24  }
0x15b: {  	v43 =	vshll.u32 v43, $0x3;
	[tilespmem:v40+s16+$0x0] =	vst.idx.msk $0xffff, v41  }
0x15c: {  	v41 =	vadd.s32 v24, v43;
	v40 =	vld.idx.msk [tilespmem:v42+s2+$0x0], $0xffff  }
0x15d: {  	v42 =	vor.u32 v1, v41  }
0x15e: {  	v45 =	vadd.s32 v31, v44;
	_ =	sdelay $0x3  }
0x15f: {  	[tilespmem:v42+s16+$0x0] =	vst.idx.msk $0xffff, v40  }
0x160: {  	v40 =	vld.idx.msk [tilespmem:v45+s2+$0x0], $0xffff  }
0x161: {  	v42 =	vor.u32 v32, v41  }
0x162: {  	v45 =	vadd.s32 v33, v44;
	_ =	sdelay $0x3  }
0x163: {  	[tilespmem:v42+s16+$0x0] =	vst.idx.msk $0xffff, v40  }
0x164: {  	v40 =	vld.idx.msk [tilespmem:v45+s2+$0x0], $0xffff  }
0x165: {  	v42 =	vor.u32 v34, v41  }
0x166: {  	v45 =	vadd.s32 v35, v44;
	_ =	sdelay $0x3  }
0x167: {  	[tilespmem:v42+s16+$0x0] =	vst.idx.msk $0xffff, v40  }
0x168: {  	v40 =	vld.idx.msk [tilespmem:v45+s2+$0x0], $0xffff  }
0x169: {  	v41 =	vor.u32 v36, v41  }
0x16a: {  	v42 =	vadd.s32 v37, v44;
	_ =	sdelay $0x3  }
0x16b: {  	[tilespmem:v41+s16+$0x0] =	vst.idx.msk $0xffff, v40  }
0x16c: {  	v40 =	vadd.s32 v30, v43;
	v41 =	vld.idx.msk [tilespmem:v42+s2+$0x0], $0xffff  }
0x16d: {  	v42 =	vor.u32 v1, v40  }
0x16e: {  	v43 =	vadd.s32 v38, v44;
	_ =	sdelay $0x3  }
0x16f: {  	[tilespmem:v42+s16+$0x0] =	vst.idx.msk $0xffff, v41  }
.Ltmp1:
0x170: {  	v41 =	vld.idx.msk [tilespmem:v43+s2+$0x0], $0xffff;
	(pc) =	sbr.rel @p0 .LBB2_5-.Ltmp1, $4  }
0x171: {  	v43 =	vor.u32 v32, v40  }
0x172: {  	v42 =	vadd.s32 v39, v44  }
0x173: {  	s23 =	sadd.s32 $0x1, s23  }
0x174: {  	s24 =	sadd.s32 $0x10, s24;
	v44 =	vmov s23  }
0x175: {  	_ =	sdelay $0x1  }
0x176: {  	v44 =	vmul.u32 $0x138, v44;
	_ =	sdelay $0x1  }
0x177: {  	[tilespmem:v43+s16+$0x0] =	vst.idx.msk $0xffff, v41;
	v50 =	vbroadcast v44, $0x0  }
0x178: {  	v40 =	vor.u32 v34, v40;
	v42 =	vld.idx.msk [tilespmem:v42+s2+$0x0], $0xffff  }
0x179: {  	v51 =	vadd.s32 v29, v50;
	_ =	sdelay $0x1  }
0x17a: {  	v52 =	vmov s22  }
0x17b: {  	v44 =	vshll.u32 v52, $0x3  }
0x17c: {  	v53 =	vadd.s32 v24, v44;
	[tilespmem:v40+s16+$0x0] =	vst.idx.msk $0xffff, v42  }
0x17d: {  	v54 =	vor.u32 v1, v53;
	v42 =	vld.idx.msk [tilespmem:v51+s2+$0x0], $0xffff  }
0x17e: {  	v45 =	vadd.s32 v31, v50;
	_ =	sdelay $0x3  }
0x17f: {  	[tilespmem:v54+s16+$0x0] =	vst.idx.msk $0xffff, v42  }
0x180: {  	v55 =	vor.u32 v32, v53;
	v42 =	vld.idx.msk [tilespmem:v45+s2+$0x0], $0xffff  }
0x181: {  	v56 =	vadd.s32 v33, v50;
	_ =	sdelay $0x3  }
0x182: {  	[tilespmem:v55+s16+$0x0] =	vst.idx.msk $0xffff, v42  }
0x183: {  	v57 =	vor.u32 v34, v53;
	v42 =	vld.idx.msk [tilespmem:v56+s2+$0x0], $0xffff  }
0x184: {  	v58 =	vadd.s32 v35, v50;
	_ =	sdelay $0x3  }
0x185: {  	[tilespmem:v57+s16+$0x0] =	vst.idx.msk $0xffff, v42  }
0x186: {  	v40 =	vor.u32 v36, v53;
	v42 =	vld.idx.msk [tilespmem:v58+s2+$0x0], $0xffff  }
0x187: {  	v59 =	vadd.s32 v37, v50;
	_ =	sdelay $0x3  }
0x188: {  	v60 =	vadd.s32 v30, v44;
	[tilespmem:v40+s16+$0x0] =	vst.idx.msk $0xffff, v42  }
0x189: {  	v61 =	vor.u32 v1, v60;
	v42 =	vld.idx.msk [tilespmem:v59+s2+$0x0], $0xffff  }
0x18a: {  	v62 =	vadd.s32 v38, v50;
	_ =	sdelay $0x3  }
0x18b: {  	[tilespmem:v61+s16+$0x0] =	vst.idx.msk $0xffff, v42  }
0x18c: {  	v63 =	vor.u32 v32, v60;
	v42 =	vld.idx.msk [tilespmem:v62+s2+$0x0], $0xffff  }
0x18d: {  	v41 =	vadd.s32 v39, v50;
	_ =	sdelay $0x3  }
0x18e: {  	[tilespmem:v63+s16+$0x0] =	vst.idx.msk $0xffff, v42  }
0x18f: {  	v40 =	vor.u32 v34, v60;
	v41 =	vld.idx.msk [tilespmem:v41+s2+$0x0], $0xffff;
	_ =	sdelay $0x2  }
0x190: {  	s20 =	sadd.s32 $0x1, s20  }
0x191: {  	p0 =	sne.s32 s20, $0x10  }
.Ltmp2:
0x192: {  	s21 =	sadd.s32 s6, s21;
	[tilespmem:v40+s16+$0x0] =	vst.idx.msk $0xffff, v41;
	(pc) =	sbr.rel @p0 .LBB2_2-.Ltmp2, $4  }
0x193: {  	[hbm4b:s21+s2] =	stream.linear.scatter [tilespmem:s16], [sflag:$0x3], $0xC800, $0x38;
	[tilespmem:$0x1FEF0] =	vst v63  }
0x194: {  	_ =	swait.ge [sflag:s11], $0xC800  }
0x195: {  	[sflag:s11] =	ssyncset.done $0x0  }
0x196: {  	[sflag:s11] =	ssyncadd.s32 $0xFFFF3800  }
0x197: {  	s19 =	sadd.s32 $0x1, s19  }
0x198: {  	p0 =	sne.s32 s19, s8  }
.Ltmp3:
0x199: {  	_ = 	snop;
	(pc) =	sbr.rel @p0 .LBB2_1-.Ltmp3, $1  }
0x19a: {  	_ =	sdelay $0x3  }
0x19b: {  	_ =	sfence.sel $0x180000  }
0x19c: {  	[bflag:$0x0] =	sbarrier.arrive $0xFFFF  }
0x19d: {  	p0 =	sne.s32 s4, $0x0;
	_ =	strace $0x90000047  }
0x19e: {  	s0 =	sadd.s32 @!p0 $0x100000, s1;
	[bflag:$0x2] =	sbarrier.arrive $0xFFFF  }
0x19f: {  	[sflag:s0] =	ssyncadd.tile.s32 @!p0 $0x1;
	_ =	shalt  }
.Lfunc_end2:
_tile_overlayer_lowered:
.L_overlay_start_2:
0x1a0: {  	(tag) =	ssettag $0x2  }
0x1a1: {  	s0 =	rddreg [dreg:$0x0];
	s2 =	stileid.u32  }
0x1a2: {  	s1 =	rddreg [dreg:$0x1];
	p0 =	sne.s32 s2, $0x0  }
0x1a3: {  	s3 =	rddreg [dreg:$0x2];
	[bflag:$0x3] =	sbarrier.arrive $0xFFFF;
	s2 =	simm.s32 @!p0 $0x1C03  }
0x1a4: {  	[timem:s3], [sflag:s2] =	dma.local @!p0 [hbm:s0], s1  }
0x1a5: {  	s0 =	simm.s32 @!p0 $0x3  }
0x1a6: {  	_ =	swait.ge @!p0 [sflag:s0], s1  }
0x1a7: {  	s1 =	ssub.s32 @!p0 $0x0, s1;
	[sflag:s0] =	ssyncset.done @!p0 $0x0  }
0x1a8: {  	[sflag:s0] =	ssyncadd.s32 @!p0 s1  }
0x1a9: {  	[bflag:$0x3] =	sbarrier.arrive $0xFFFF  }
0x1aa: {  	_ =	shalt  }

</sc_bundles>
